<compile_context>
chip_gen: v7x
topology: tpu7x:2x2x1
jax: 0.10.2.dev20260603
libtpu: 0.0.44.dev20260713+nightly
codegen_flags: <defaults>
</compile_context>

<pallas_src>
import functools

import jax
import jax.numpy as jnp
from jax import lax
from jax.experimental import pallas as pl
from jax.experimental.pallas import tpu as pltpu
from jax.experimental.pallas import tpu_sc as plsc

NUM_EMBEDDINGS = 100000
EMBEDDING_DIM = 128
BATCH = 4096
HIST_LEN = 50

_INFO = plsc.get_sparse_core_info()
NUM_CORES = _INFO.num_cores
NUM_SUBCORES = _INFO.num_subcores
NW = NUM_CORES * NUM_SUBCORES

BCHUNK = BATCH // NW
NBUF = 5

_mesh = plsc.VectorSubcoreMesh(core_axis_name="c", subcore_axis_name="s")


@functools.partial(
    pl.kernel,
    mesh=_mesh,
    out_type=jax.ShapeDtypeStruct((HIST_LEN, BATCH, EMBEDDING_DIM), jnp.float32),
    scratch_types=[
        pltpu.VMEM((HIST_LEN, BCHUNK), jnp.int32),
        pltpu.VMEM((NBUF, BCHUNK, EMBEDDING_DIM), jnp.float32),
        pltpu.SemaphoreType.DMA((NBUF,)),
        pltpu.SemaphoreType.DMA((NBUF,)),
    ],
)
def _gather_kernel(idx_hbm, table_hbm, out_hbm, idx_v, rows_v, gsem, wsem):
    wid = lax.axis_index("s") * NUM_CORES + lax.axis_index("c")
    col = wid * BCHUNK
    pltpu.sync_copy(idx_hbm.at[:, pl.ds(col, BCHUNK)], idx_v)

    def start_gather(h, b):
        pltpu.async_copy(table_hbm.at[idx_v.at[h]], rows_v.at[b], gsem.at[b])

    def wait_gather(h, b):
        pltpu.make_async_copy(table_hbm.at[idx_v.at[h]], rows_v.at[b], gsem.at[b]).wait()

    def start_write(h, b):
        pltpu.async_copy(rows_v.at[b], out_hbm.at[h].at[pl.ds(col, BCHUNK)], wsem.at[b])

    def wait_write(h, b):
        pltpu.make_async_copy(
            rows_v.at[b], out_hbm.at[h].at[pl.ds(col, BCHUNK)], wsem.at[b]
        ).wait()

    for b in range(NBUF):
        start_gather(b, b)

    @pl.loop(0, HIST_LEN - NBUF, step=NBUF)
    def _steady(o):
        for b in range(NBUF):
            wait_gather(o + b, b)
            start_write(o + b, b)
        for b in range(NBUF):
            wait_write(o + b, b)
            start_gather(o + NBUF + b, b)

    tail = HIST_LEN - NBUF
    for b in range(NBUF):
        wait_gather(tail + b, b)
        start_write(tail + b, b)
    for b in range(NBUF):
        wait_write(tail + b, b)


def kernel(indices, embedding):
    out_phys = _gather_kernel(indices.astype(jnp.int32).T, embedding)
    return out_phys.transpose(1, 0, 2)

# --- scband reference (transcript-rebuilt; emitter-appended) ---
"""Pipeline reference for scband-embedding-44452911514037 (READ-ONLY COPY).

The authoritative reference and input builder live on the scoring server;
editing this copy changes nothing except your own understanding.
"""

import jax, jax.numpy as jnp
import numpy as np

NUM_EMBEDDINGS = 100000
EMBEDDING_DIM = 128
BATCH = 4096
HIST_LEN = 50


def setup_inputs(seed: int = 0) -> dict:
    key = jax.random.key(seed)
    k_idx, k_emb = jax.random.split(key)
    indices = jax.random.randint(k_idx, (BATCH, HIST_LEN), 0, NUM_EMBEDDINGS)
    # Learned parameter: embedding table, flax nn.initializers.normal() uses stddev=0.01
    embedding = jax.random.normal(k_emb, (NUM_EMBEDDINGS, EMBEDDING_DIM), dtype=jnp.float32) * 0.01
    return {"indices": indices, "embedding": embedding}


def reference(indices, embedding):
    # Faithful translation of Embedding.__call__: self.embedding[indices]
    return jnp.take(embedding, indices, axis=0)

if __name__ == "__main__":
    import jax
    _d = setup_inputs()
    print(jax.jit(kernel)(*tuple(_d.values())))

</pallas_src>

<mosaic_0001>
#map = affine_map<(d0, d1) -> (0, 0)>
#map1 = affine_map<(d0, d1) -> (0, 0, 0)>
module attributes {stable_mosaic.version = 14 : i64} {
  func.func @_gather_kernel(%arg0: i32, %arg1: i32, %arg2: memref<50x4096xi32, #tpu.memory_space<hbm>>, %arg3: memref<100000x128xf32, #tpu.memory_space<hbm>>, %arg4: memref<50x4096x128xf32, #tpu.memory_space<hbm>>, %arg5: memref<50x128xi32, #tpu.memory_space<vmem>>, %arg6: memref<5x128x128xf32, #tpu.memory_space<vmem>>, %arg7: memref<5x!tpu.dma_semaphore, #tpu.memory_space<semaphore_mem>>, %arg8: memref<5x!tpu.dma_semaphore, #tpu.memory_space<semaphore_mem>>) attributes {dimension_semantics = [#tpu.dimension_semantics<core_parallel>, #tpu.dimension_semantics<subcore_parallel>], iteration_bounds = array<i64: 2, 16>, scalar_prefetch = 0 : i64, scratch_operands = 4 : i64, tpu.core_type = #tpu.core_type<sc_vector_subcore>, window_params = [{transform_indices = #map}, {transform_indices = #map}, {transform_indices = #map1}]} {
    %mul3A = arith.constant 2 : i32
    %mul3A_0 = arith.muli %arg1, %mul3A : i32
    %add3A = arith.addi %mul3A_0, %arg0 : i32
    %mul3A_1 = arith.constant 128 : i32
    %mul3A_2 = arith.muli %add3A, %mul3A_1 : i32
    "tpu.region"() ({
      %run_scoped3A = tpu.sem_alloc : memref<!tpu.dma_semaphore, #tpu.memory_space<semaphore_mem>>
      %dma_start3A_405 = arith.constant 0 : i32
      %dma_start3A_406 = tpu.memref_slice %arg2[%dma_start3A_405, %mul3A_2] : memref<50x4096xi32, #tpu.memory_space<hbm>> -> memref<50x128xi32, #tpu.memory_space<hbm>>
      %dma_start3A_407 = arith.constant 0 : i32
      %dma_start3A_408 = tpu.memref_slice %arg2[%dma_start3A_407, %mul3A_2] : memref<50x4096xi32, #tpu.memory_space<hbm>> -> memref<50x128xi32, #tpu.memory_space<hbm>>
      tpu.enqueue_dma source(%dma_start3A_408 : memref<50x128xi32, #tpu.memory_space<hbm>>) target(%arg5 : memref<50x128xi32, #tpu.memory_space<vmem>>) target_semaphore(%run_scoped3A : memref<!tpu.dma_semaphore, #tpu.memory_space<semaphore_mem>>)
      %dma_wait3A_409 = arith.constant 0 : i32
      %dma_wait3A_410 = tpu.memref_slice %arg2[%dma_wait3A_409, %mul3A_2] : memref<50x4096xi32, #tpu.memory_space<hbm>> -> memref<50x128xi32, #tpu.memory_space<hbm>>
      %dma_wait3A_411 = arith.constant 0 : i32
      %dma_wait3A_412 = tpu.memref_slice %arg2[%dma_wait3A_411, %mul3A_2] : memref<50x4096xi32, #tpu.memory_space<hbm>> -> memref<50x128xi32, #tpu.memory_space<hbm>>
      tpu.wait_dma2 semaphore(%run_scoped3A : memref<!tpu.dma_semaphore, #tpu.memory_space<semaphore_mem>>) src(%dma_wait3A_412 : memref<50x128xi32, #tpu.memory_space<hbm>>) dst(%arg5 : memref<50x128xi32, #tpu.memory_space<vmem>>)
      tpu.yield
    }) : () -> ()
    %dma_start3A = arith.constant 0 : i32
    %dma_start3A_3 = arith.constant 0 : i32
    %dma_start3A_4 = arith.constant 0 : i32
    %dma_start3A_5 = arith.constant 0 : i32
    %dma_start3A_6 = arith.constant 0 : i32
    %dma_start3A_7 = tpu.memref_slice %arg6[%dma_start3A_3, %dma_start3A_5, %dma_start3A_6] : memref<5x128x128xf32, #tpu.memory_space<vmem>> -> memref<1x128x128xf32, #tpu.memory_space<vmem>>
    %dma_start3A_8 = tpu.memref_squeeze %dma_start3A_7 : memref<1x128x128xf32, #tpu.memory_space<vmem>> -> memref<128x128xf32, #tpu.memory_space<vmem>>
    %dma_start3A_9 = arith.constant 0 : i32
    %dma_start3A_10 = tpu.memref_slice %arg5[%dma_start3A, %dma_start3A_9] : memref<50x128xi32, #tpu.memory_space<vmem>> -> memref<1x128xi32, #tpu.memory_space<vmem>>
    %dma_start3A_11 = tpu.memref_squeeze %dma_start3A_10 : memref<1x128xi32, #tpu.memory_space<vmem>> -> memref<128xi32, #tpu.memory_space<vmem>>
    %dma_start3A_12 = arith.constant 0 : i32
    %dma_start3A_13 = arith.constant 0 : i32
    %dma_start3A_14 = tpu.memref_slice %arg3[%dma_start3A_12, %dma_start3A_13] : memref<100000x128xf32, #tpu.memory_space<hbm>> -> memref<100000x128xf32, #tpu.memory_space<hbm>>
    %dma_start3A_15 = tpu.memref_slice %arg7[%dma_start3A_4] : memref<5x!tpu.dma_semaphore, #tpu.memory_space<semaphore_mem>> -> memref<1x!tpu.dma_semaphore, #tpu.memory_space<semaphore_mem>>
    %dma_start3A_16 = tpu.memref_squeeze %dma_start3A_15 : memref<1x!tpu.dma_semaphore, #tpu.memory_space<semaphore_mem>> -> memref<!tpu.dma_semaphore, #tpu.memory_space<semaphore_mem>>
    tpu.enqueue_indirect_dma source(%dma_start3A_14 : memref<100000x128xf32, #tpu.memory_space<hbm>>) target(%dma_start3A_8 : memref<128x128xf32, #tpu.memory_space<vmem>>) offsets(%dma_start3A_11 : memref<128xi32, #tpu.memory_space<vmem>>) semaphore(%dma_start3A_16 : memref<!tpu.dma_semaphore, #tpu.memory_space<semaphore_mem>>)
    %dma_start3A_17 = arith.constant 1 : i32
    %dma_start3A_18 = arith.constant 1 : i32
    %dma_start3A_19 = arith.constant 1 : i32
    %dma_start3A_20 = arith.constant 0 : i32
    %dma_start3A_21 = arith.constant 0 : i32
    %dma_start3A_22 = tpu.memref_slice %arg6[%dma_start3A_18, %dma_start3A_20, %dma_start3A_21] : memref<5x128x128xf32, #tpu.memory_space<vmem>> -> memref<1x128x128xf32, #tpu.memory_space<vmem>>
    %dma_start3A_23 = tpu.memref_squeeze %dma_start3A_22 : memref<1x128x128xf32, #tpu.memory_space<vmem>> -> memref<128x128xf32, #tpu.memory_space<vmem>>
    %dma_start3A_24 = arith.constant 0 : i32
    %dma_start3A_25 = tpu.memref_slice %arg5[%dma_start3A_17, %dma_start3A_24] : memref<50x128xi32, #tpu.memory_space<vmem>> -> memref<1x128xi32, #tpu.memory_space<vmem>>
    %dma_start3A_26 = tpu.memref_squeeze %dma_start3A_25 : memref<1x128xi32, #tpu.memory_space<vmem>> -> memref<128xi32, #tpu.memory_space<vmem>>
    %dma_start3A_27 = arith.constant 0 : i32
    %dma_start3A_28 = arith.constant 0 : i32
    %dma_start3A_29 = tpu.memref_slice %arg3[%dma_start3A_27, %dma_start3A_28] : memref<100000x128xf32, #tpu.memory_space<hbm>> -> memref<100000x128xf32, #tpu.memory_space<hbm>>
    %dma_start3A_30 = tpu.memref_slice %arg7[%dma_start3A_19] : memref<5x!tpu.dma_semaphore, #tpu.memory_space<semaphore_mem>> -> memref<1x!tpu.dma_semaphore, #tpu.memory_space<semaphore_mem>>
    %dma_start3A_31 = tpu.memref_squeeze %dma_start3A_30 : memref<1x!tpu.dma_semaphore, #tpu.memory_space<semaphore_mem>> -> memref<!tpu.dma_semaphore, #tpu.memory_space<semaphore_mem>>
    tpu.enqueue_indirect_dma source(%dma_start3A_29 : memref<100000x128xf32, #tpu.memory_space<hbm>>) target(%dma_start3A_23 : memref<128x128xf32, #tpu.memory_space<vmem>>) offsets(%dma_start3A_26 : memref<128xi32, #tpu.memory_space<vmem>>) semaphore(%dma_start3A_31 : memref<!tpu.dma_semaphore, #tpu.memory_space<semaphore_mem>>)
    %dma_start3A_32 = arith.constant 2 : i32
    %dma_start3A_33 = arith.constant 2 : i32
    %dma_start3A_34 = arith.constant 2 : i32
    %dma_start3A_35 = arith.constant 0 : i32
    %dma_start3A_36 = arith.constant 0 : i32
    %dma_start3A_37 = tpu.memref_slice %arg6[%dma_start3A_33, %dma_start3A_35, %dma_start3A_36] : memref<5x128x128xf32, #tpu.memory_space<vmem>> -> memref<1x128x128xf32, #tpu.memory_space<vmem>>
    %dma_start3A_38 = tpu.memref_squeeze %dma_start3A_37 : memref<1x128x128xf32, #tpu.memory_space<vmem>> -> memref<128x128xf32, #tpu.memory_space<vmem>>
    %dma_start3A_39 = arith.constant 0 : i32
    %dma_start3A_40 = tpu.memref_slice %arg5[%dma_start3A_32, %dma_start3A_39] : memref<50x128xi32, #tpu.memory_space<vmem>> -> memref<1x128xi32, #tpu.memory_space<vmem>>
    %dma_start3A_41 = tpu.memref_squeeze %dma_start3A_40 : memref<1x128xi32, #tpu.memory_space<vmem>> -> memref<128xi32, #tpu.memory_space<vmem>>
    %dma_start3A_42 = arith.constant 0 : i32
    %dma_start3A_43 = arith.constant 0 : i32
    %dma_start3A_44 = tpu.memref_slice %arg3[%dma_start3A_42, %dma_start3A_43] : memref<100000x128xf32, #tpu.memory_space<hbm>> -> memref<100000x128xf32, #tpu.memory_space<hbm>>
    %dma_start3A_45 = tpu.memref_slice %arg7[%dma_start3A_34] : memref<5x!tpu.dma_semaphore, #tpu.memory_space<semaphore_mem>> -> memref<1x!tpu.dma_semaphore, #tpu.memory_space<semaphore_mem>>
    %dma_start3A_46 = tpu.memref_squeeze %dma_start3A_45 : memref<1x!tpu.dma_semaphore, #tpu.memory_space<semaphore_mem>> -> memref<!tpu.dma_semaphore, #tpu.memory_space<semaphore_mem>>
    tpu.enqueue_indirect_dma source(%dma_start3A_44 : memref<100000x128xf32, #tpu.memory_space<hbm>>) target(%dma_start3A_38 : memref<128x128xf32, #tpu.memory_space<vmem>>) offsets(%dma_start3A_41 : memref<128xi32, #tpu.memory_space<vmem>>) semaphore(%dma_start3A_46 : memref<!tpu.dma_semaphore, #tpu.memory_space<semaphore_mem>>)
    %dma_start3A_47 = arith.constant 3 : i32
    %dma_start3A_48 = arith.constant 3 : i32
    %dma_start3A_49 = arith.constant 3 : i32
    %dma_start3A_50 = arith.constant 0 : i32
    %dma_start3A_51 = arith.constant 0 : i32
    %dma_start3A_52 = tpu.memref_slice %arg6[%dma_start3A_48, %dma_start3A_50, %dma_start3A_51] : memref<5x128x128xf32, #tpu.memory_space<vmem>> -> memref<1x128x128xf32, #tpu.memory_space<vmem>>
    %dma_start3A_53 = tpu.memref_squeeze %dma_start3A_52 : memref<1x128x128xf32, #tpu.memory_space<vmem>> -> memref<128x128xf32, #tpu.memory_space<vmem>>
    %dma_start3A_54 = arith.constant 0 : i32
    %dma_start3A_55 = tpu.memref_slice %arg5[%dma_start3A_47, %dma_start3A_54] : memref<50x128xi32, #tpu.memory_space<vmem>> -> memref<1x128xi32, #tpu.memory_space<vmem>>
    %dma_start3A_56 = tpu.memref_squeeze %dma_start3A_55 : memref<1x128xi32, #tpu.memory_space<vmem>> -> memref<128xi32, #tpu.memory_space<vmem>>
    %dma_start3A_57 = arith.constant 0 : i32
    %dma_start3A_58 = arith.constant 0 : i32
    %dma_start3A_59 = tpu.memref_slice %arg3[%dma_start3A_57, %dma_start3A_58] : memref<100000x128xf32, #tpu.memory_space<hbm>> -> memref<100000x128xf32, #tpu.memory_space<hbm>>
    %dma_start3A_60 = tpu.memref_slice %arg7[%dma_start3A_49] : memref<5x!tpu.dma_semaphore, #tpu.memory_space<semaphore_mem>> -> memref<1x!tpu.dma_semaphore, #tpu.memory_space<semaphore_mem>>
    %dma_start3A_61 = tpu.memref_squeeze %dma_start3A_60 : memref<1x!tpu.dma_semaphore, #tpu.memory_space<semaphore_mem>> -> memref<!tpu.dma_semaphore, #tpu.memory_space<semaphore_mem>>
    tpu.enqueue_indirect_dma source(%dma_start3A_59 : memref<100000x128xf32, #tpu.memory_space<hbm>>) target(%dma_start3A_53 : memref<128x128xf32, #tpu.memory_space<vmem>>) offsets(%dma_start3A_56 : memref<128xi32, #tpu.memory_space<vmem>>) semaphore(%dma_start3A_61 : memref<!tpu.dma_semaphore, #tpu.memory_space<semaphore_mem>>)
    %dma_start3A_62 = arith.constant 4 : i32
    %dma_start3A_63 = arith.constant 4 : i32
    %dma_start3A_64 = arith.constant 4 : i32
    %dma_start3A_65 = arith.constant 0 : i32
    %dma_start3A_66 = arith.constant 0 : i32
    %dma_start3A_67 = tpu.memref_slice %arg6[%dma_start3A_63, %dma_start3A_65, %dma_start3A_66] : memref<5x128x128xf32, #tpu.memory_space<vmem>> -> memref<1x128x128xf32, #tpu.memory_space<vmem>>
    %dma_start3A_68 = tpu.memref_squeeze %dma_start3A_67 : memref<1x128x128xf32, #tpu.memory_space<vmem>> -> memref<128x128xf32, #tpu.memory_space<vmem>>
    %dma_start3A_69 = arith.constant 0 : i32
    %dma_start3A_70 = tpu.memref_slice %arg5[%dma_start3A_62, %dma_start3A_69] : memref<50x128xi32, #tpu.memory_space<vmem>> -> memref<1x128xi32, #tpu.memory_space<vmem>>
    %dma_start3A_71 = tpu.memref_squeeze %dma_start3A_70 : memref<1x128xi32, #tpu.memory_space<vmem>> -> memref<128xi32, #tpu.memory_space<vmem>>
    %dma_start3A_72 = arith.constant 0 : i32
    %dma_start3A_73 = arith.constant 0 : i32
    %dma_start3A_74 = tpu.memref_slice %arg3[%dma_start3A_72, %dma_start3A_73] : memref<100000x128xf32, #tpu.memory_space<hbm>> -> memref<100000x128xf32, #tpu.memory_space<hbm>>
    %dma_start3A_75 = tpu.memref_slice %arg7[%dma_start3A_64] : memref<5x!tpu.dma_semaphore, #tpu.memory_space<semaphore_mem>> -> memref<1x!tpu.dma_semaphore, #tpu.memory_space<semaphore_mem>>
    %dma_start3A_76 = tpu.memref_squeeze %dma_start3A_75 : memref<1x!tpu.dma_semaphore, #tpu.memory_space<semaphore_mem>> -> memref<!tpu.dma_semaphore, #tpu.memory_space<semaphore_mem>>
    tpu.enqueue_indirect_dma source(%dma_start3A_74 : memref<100000x128xf32, #tpu.memory_space<hbm>>) target(%dma_start3A_68 : memref<128x128xf32, #tpu.memory_space<vmem>>) offsets(%dma_start3A_71 : memref<128xi32, #tpu.memory_space<vmem>>) semaphore(%dma_start3A_76 : memref<!tpu.dma_semaphore, #tpu.memory_space<semaphore_mem>>)
    %scan3A = arith.constant 0 : i32
    %scan3A_77 = arith.constant 9 : i32
    %scan3A_78 = arith.addi %scan3A, %scan3A_77 : i32
    %scan3A_79 = arith.constant 1 : i32
    scf.for %scan3A_405 = %scan3A to %scan3A_78 step %scan3A_79  : i32 {
      %mul3A_406 = arith.constant 5 : i32
      %mul3A_407 = arith.muli %scan3A_405, %mul3A_406 : i32
      %add3A_408 = arith.constant 0 : i32
      %add3A_409 = arith.addi %add3A_408, %mul3A_407 : i32
      %add3A_410 = arith.constant 0 : i32
      %add3A_411 = arith.addi %add3A_409, %add3A_410 : i32
      %dma_wait3A_412 = arith.constant 0 : i32
      %dma_wait3A_413 = arith.constant 0 : i32
      %dma_wait3A_414 = arith.constant 0 : i32
      %dma_wait3A_415 = arith.constant 0 : i32
      %dma_wait3A_416 = tpu.memref_slice %arg6[%dma_wait3A_412, %dma_wait3A_414, %dma_wait3A_415] : memref<5x128x128xf32, #tpu.memory_space<vmem>> -> memref<1x128x128xf32, #tpu.memory_space<vmem>>
      %dma_wait3A_417 = tpu.memref_squeeze %dma_wait3A_416 : memref<1x128x128xf32, #tpu.memory_space<vmem>> -> memref<128x128xf32, #tpu.memory_space<vmem>>
      %dma_wait3A_418 = arith.constant 0 : i32
      %dma_wait3A_419 = tpu.memref_slice %arg5[%add3A_411, %dma_wait3A_418] : memref<50x128xi32, #tpu.memory_space<vmem>> -> memref<1x128xi32, #tpu.memory_space<vmem>>
      %dma_wait3A_420 = tpu.memref_squeeze %dma_wait3A_419 : memref<1x128xi32, #tpu.memory_space<vmem>> -> memref<128xi32, #tpu.memory_space<vmem>>
      %dma_wait3A_421 = arith.constant 0 : i32
      %dma_wait3A_422 = arith.constant 0 : i32
      %dma_wait3A_423 = tpu.memref_slice %arg3[%dma_wait3A_421, %dma_wait3A_422] : memref<100000x128xf32, #tpu.memory_space<hbm>> -> memref<100000x128xf32, #tpu.memory_space<hbm>>
      %dma_wait3A_424 = tpu.memref_slice %arg7[%dma_wait3A_413] : memref<5x!tpu.dma_semaphore, #tpu.memory_space<semaphore_mem>> -> memref<1x!tpu.dma_semaphore, #tpu.memory_space<semaphore_mem>>
      %dma_wait3A_425 = tpu.memref_squeeze %dma_wait3A_424 : memref<1x!tpu.dma_semaphore, #tpu.memory_space<semaphore_mem>> -> memref<!tpu.dma_semaphore, #tpu.memory_space<semaphore_mem>>
      tpu.wait_indirect_dma semaphore(%dma_wait3A_425 : memref<!tpu.dma_semaphore, #tpu.memory_space<semaphore_mem>>) src(%dma_wait3A_423 : memref<100000x128xf32, #tpu.memory_space<hbm>>) dst(%dma_wait3A_417 : memref<128x128xf32, #tpu.memory_space<vmem>>)
      %add3A_426 = arith.constant 0 : i32
      %add3A_427 = arith.addi %add3A_409, %add3A_426 : i32
      %dma_start3A_428 = arith.constant 0 : i32
      %dma_start3A_429 = arith.constant 0 : i32
      %dma_start3A_430 = arith.constant 0 : i32
      %dma_start3A_431 = arith.constant 0 : i32
      %dma_start3A_432 = tpu.memref_slice %arg6[%dma_start3A_428, %dma_start3A_430, %dma_start3A_431] : memref<5x128x128xf32, #tpu.memory_space<vmem>> -> memref<1x128x128xf32, #tpu.memory_space<vmem>>
      %dma_start3A_433 = tpu.memref_squeeze %dma_start3A_432 : memref<1x128x128xf32, #tpu.memory_space<vmem>> -> memref<128x128xf32, #tpu.memory_space<vmem>>
      %dma_start3A_434 = arith.constant 0 : i32
      %dma_start3A_435 = arith.constant 0 : i32
      %dma_start3A_436 = tpu.memref_slice %arg4[%add3A_427, %dma_start3A_434, %dma_start3A_435] : memref<50x4096x128xf32, #tpu.memory_space<hbm>> -> memref<1x4096x128xf32, #tpu.memory_space<hbm>>
      %dma_start3A_437 = tpu.memref_squeeze %dma_start3A_436 : memref<1x4096x128xf32, #tpu.memory_space<hbm>> -> memref<4096x128xf32, #tpu.memory_space<hbm>>
      %dma_start3A_438 = arith.constant 0 : i32
      %dma_start3A_439 = tpu.memref_slice %dma_start3A_437[%mul3A_2, %dma_start3A_438] : memref<4096x128xf32, #tpu.memory_space<hbm>> -> memref<128x128xf32, #tpu.memory_space<hbm>>
      %dma_start3A_440 = tpu.memref_slice %arg8[%dma_start3A_429] : memref<5x!tpu.dma_semaphore, #tpu.memory_space<semaphore_mem>> -> memref<1x!tpu.dma_semaphore, #tpu.memory_space<semaphore_mem>>
      %dma_start3A_441 = tpu.memref_squeeze %dma_start3A_440 : memref<1x!tpu.dma_semaphore, #tpu.memory_space<semaphore_mem>> -> memref<!tpu.dma_semaphore, #tpu.memory_space<semaphore_mem>>
      %dma_start3A_442 = arith.constant 0 : i32
      %dma_start3A_443 = arith.constant 0 : i32
      %dma_start3A_444 = tpu.memref_slice %arg4[%add3A_427, %dma_start3A_442, %dma_start3A_443] : memref<50x4096x128xf32, #tpu.memory_space<hbm>> -> memref<1x4096x128xf32, #tpu.memory_space<hbm>>
      %dma_start3A_445 = tpu.memref_squeeze %dma_start3A_444 : memref<1x4096x128xf32, #tpu.memory_space<hbm>> -> memref<4096x128xf32, #tpu.memory_space<hbm>>
      %dma_start3A_446 = arith.constant 0 : i32
      %dma_start3A_447 = tpu.memref_slice %dma_start3A_445[%mul3A_2, %dma_start3A_446] : memref<4096x128xf32, #tpu.memory_space<hbm>> -> memref<128x128xf32, #tpu.memory_space<hbm>>
      %dma_start3A_448 = arith.constant 0 : i32
      %dma_start3A_449 = arith.constant 0 : i32
      %dma_start3A_450 = tpu.memref_slice %arg6[%dma_start3A_428, %dma_start3A_448, %dma_start3A_449] : memref<5x128x128xf32, #tpu.memory_space<vmem>> -> memref<1x128x128xf32, #tpu.memory_space<vmem>>
      %dma_start3A_451 = tpu.memref_squeeze %dma_start3A_450 : memref<1x128x128xf32, #tpu.memory_space<vmem>> -> memref<128x128xf32, #tpu.memory_space<vmem>>
      tpu.enqueue_dma source(%dma_start3A_451 : memref<128x128xf32, #tpu.memory_space<vmem>>) target(%dma_start3A_447 : memref<128x128xf32, #tpu.memory_space<hbm>>) target_semaphore(%dma_start3A_441 : memref<!tpu.dma_semaphore, #tpu.memory_space<semaphore_mem>>)
      %add3A_452 = arith.constant 1 : i32
      %add3A_453 = arith.addi %add3A_409, %add3A_452 : i32
      %dma_wait3A_454 = arith.constant 1 : i32
      %dma_wait3A_455 = arith.constant 1 : i32
      %dma_wait3A_456 = arith.constant 0 : i32
      %dma_wait3A_457 = arith.constant 0 : i32
      %dma_wait3A_458 = tpu.memref_slice %arg6[%dma_wait3A_454, %dma_wait3A_456, %dma_wait3A_457] : memref<5x128x128xf32, #tpu.memory_space<vmem>> -> memref<1x128x128xf32, #tpu.memory_space<vmem>>
      %dma_wait3A_459 = tpu.memref_squeeze %dma_wait3A_458 : memref<1x128x128xf32, #tpu.memory_space<vmem>> -> memref<128x128xf32, #tpu.memory_space<vmem>>
      %dma_wait3A_460 = arith.constant 0 : i32
      %dma_wait3A_461 = tpu.memref_slice %arg5[%add3A_453, %dma_wait3A_460] : memref<50x128xi32, #tpu.memory_space<vmem>> -> memref<1x128xi32, #tpu.memory_space<vmem>>
      %dma_wait3A_462 = tpu.memref_squeeze %dma_wait3A_461 : memref<1x128xi32, #tpu.memory_space<vmem>> -> memref<128xi32, #tpu.memory_space<vmem>>
      %dma_wait3A_463 = arith.constant 0 : i32
      %dma_wait3A_464 = arith.constant 0 : i32
      %dma_wait3A_465 = tpu.memref_slice %arg3[%dma_wait3A_463, %dma_wait3A_464] : memref<100000x128xf32, #tpu.memory_space<hbm>> -> memref<100000x128xf32, #tpu.memory_space<hbm>>
      %dma_wait3A_466 = tpu.memref_slice %arg7[%dma_wait3A_455] : memref<5x!tpu.dma_semaphore, #tpu.memory_space<semaphore_mem>> -> memref<1x!tpu.dma_semaphore, #tpu.memory_space<semaphore_mem>>
      %dma_wait3A_467 = tpu.memref_squeeze %dma_wait3A_466 : memref<1x!tpu.dma_semaphore, #tpu.memory_space<semaphore_mem>> -> memref<!tpu.dma_semaphore, #tpu.memory_space<semaphore_mem>>
      tpu.wait_indirect_dma semaphore(%dma_wait3A_467 : memref<!tpu.dma_semaphore, #tpu.memory_space<semaphore_mem>>) src(%dma_wait3A_465 : memref<100000x128xf32, #tpu.memory_space<hbm>>) dst(%dma_wait3A_459 : memref<128x128xf32, #tpu.memory_space<vmem>>)
      %add3A_468 = arith.constant 1 : i32
      %add3A_469 = arith.addi %add3A_409, %add3A_468 : i32
      %dma_start3A_470 = arith.constant 1 : i32
      %dma_start3A_471 = arith.constant 1 : i32
      %dma_start3A_472 = arith.constant 0 : i32
      %dma_start3A_473 = arith.constant 0 : i32
      %dma_start3A_474 = tpu.memref_slice %arg6[%dma_start3A_470, %dma_start3A_472, %dma_start3A_473] : memref<5x128x128xf32, #tpu.memory_space<vmem>> -> memref<1x128x128xf32, #tpu.memory_space<vmem>>
      %dma_start3A_475 = tpu.memref_squeeze %dma_start3A_474 : memref<1x128x128xf32, #tpu.memory_space<vmem>> -> memref<128x128xf32, #tpu.memory_space<vmem>>
      %dma_start3A_476 = arith.constant 0 : i32
      %dma_start3A_477 = arith.constant 0 : i32
      %dma_start3A_478 = tpu.memref_slice %arg4[%add3A_469, %dma_start3A_476, %dma_start3A_477] : memref<50x4096x128xf32, #tpu.memory_space<hbm>> -> memref<1x4096x128xf32, #tpu.memory_space<hbm>>
      %dma_start3A_479 = tpu.memref_squeeze %dma_start3A_478 : memref<1x4096x128xf32, #tpu.memory_space<hbm>> -> memref<4096x128xf32, #tpu.memory_space<hbm>>
      %dma_start3A_480 = arith.constant 0 : i32
      %dma_start3A_481 = tpu.memref_slice %dma_start3A_479[%mul3A_2, %dma_start3A_480] : memref<4096x128xf32, #tpu.memory_space<hbm>> -> memref<128x128xf32, #tpu.memory_space<hbm>>
      %dma_start3A_482 = tpu.memref_slice %arg8[%dma_start3A_471] : memref<5x!tpu.dma_semaphore, #tpu.memory_space<semaphore_mem>> -> memref<1x!tpu.dma_semaphore, #tpu.memory_space<semaphore_mem>>
      %dma_start3A_483 = tpu.memref_squeeze %dma_start3A_482 : memref<1x!tpu.dma_semaphore, #tpu.memory_space<semaphore_mem>> -> memref<!tpu.dma_semaphore, #tpu.memory_space<semaphore_mem>>
      %dma_start3A_484 = arith.constant 0 : i32
      %dma_start3A_485 = arith.constant 0 : i32
      %dma_start3A_486 = tpu.memref_slice %arg4[%add3A_469, %dma_start3A_484, %dma_start3A_485] : memref<50x4096x128xf32, #tpu.memory_space<hbm>> -> memref<1x4096x128xf32, #tpu.memory_space<hbm>>
      %dma_start3A_487 = tpu.memref_squeeze %dma_start3A_486 : memref<1x4096x128xf32, #tpu.memory_space<hbm>> -> memref<4096x128xf32, #tpu.memory_space<hbm>>
      %dma_start3A_488 = arith.constant 0 : i32
      %dma_start3A_489 = tpu.memref_slice %dma_start3A_487[%mul3A_2, %dma_start3A_488] : memref<4096x128xf32, #tpu.memory_space<hbm>> -> memref<128x128xf32, #tpu.memory_space<hbm>>
      %dma_start3A_490 = arith.constant 0 : i32
      %dma_start3A_491 = arith.constant 0 : i32
      %dma_start3A_492 = tpu.memref_slice %arg6[%dma_start3A_470, %dma_start3A_490, %dma_start3A_491] : memref<5x128x128xf32, #tpu.memory_space<vmem>> -> memref<1x128x128xf32, #tpu.memory_space<vmem>>
      %dma_start3A_493 = tpu.memref_squeeze %dma_start3A_492 : memref<1x128x128xf32, #tpu.memory_space<vmem>> -> memref<128x128xf32, #tpu.memory_space<vmem>>
      tpu.enqueue_dma source(%dma_start3A_493 : memref<128x128xf32, #tpu.memory_space<vmem>>) target(%dma_start3A_489 : memref<128x128xf32, #tpu.memory_space<hbm>>) target_semaphore(%dma_start3A_483 : memref<!tpu.dma_semaphore, #tpu.memory_space<semaphore_mem>>)
      %add3A_494 = arith.constant 2 : i32
      %add3A_495 = arith.addi %add3A_409, %add3A_494 : i32
      %dma_wait3A_496 = arith.constant 2 : i32
      %dma_wait3A_497 = arith.constant 2 : i32
      %dma_wait3A_498 = arith.constant 0 : i32
      %dma_wait3A_499 = arith.constant 0 : i32
      %dma_wait3A_500 = tpu.memref_slice %arg6[%dma_wait3A_496, %dma_wait3A_498, %dma_wait3A_499] : memref<5x128x128xf32, #tpu.memory_space<vmem>> -> memref<1x128x128xf32, #tpu.memory_space<vmem>>
      %dma_wait3A_501 = tpu.memref_squeeze %dma_wait3A_500 : memref<1x128x128xf32, #tpu.memory_space<vmem>> -> memref<128x128xf32, #tpu.memory_space<vmem>>
      %dma_wait3A_502 = arith.constant 0 : i32
      %dma_wait3A_503 = tpu.memref_slice %arg5[%add3A_495, %dma_wait3A_502] : memref<50x128xi32, #tpu.memory_space<vmem>> -> memref<1x128xi32, #tpu.memory_space<vmem>>
      %dma_wait3A_504 = tpu.memref_squeeze %dma_wait3A_503 : memref<1x128xi32, #tpu.memory_space<vmem>> -> memref<128xi32, #tpu.memory_space<vmem>>
      %dma_wait3A_505 = arith.constant 0 : i32
      %dma_wait3A_506 = arith.constant 0 : i32
      %dma_wait3A_507 = tpu.memref_slice %arg3[%dma_wait3A_505, %dma_wait3A_506] : memref<100000x128xf32, #tpu.memory_space<hbm>> -> memref<100000x128xf32, #tpu.memory_space<hbm>>
      %dma_wait3A_508 = tpu.memref_slice %arg7[%dma_wait3A_497] : memref<5x!tpu.dma_semaphore, #tpu.memory_space<semaphore_mem>> -> memref<1x!tpu.dma_semaphore, #tpu.memory_space<semaphore_mem>>
      %dma_wait3A_509 = tpu.memref_squeeze %dma_wait3A_508 : memref<1x!tpu.dma_semaphore, #tpu.memory_space<semaphore_mem>> -> memref<!tpu.dma_semaphore, #tpu.memory_space<semaphore_mem>>
      tpu.wait_indirect_dma semaphore(%dma_wait3A_509 : memref<!tpu.dma_semaphore, #tpu.memory_space<semaphore_mem>>) src(%dma_wait3A_507 : memref<100000x128xf32, #tpu.memory_space<hbm>>) dst(%dma_wait3A_501 : memref<128x128xf32, #tpu.memory_space<vmem>>)
      %add3A_510 = arith.constant 2 : i32
      %add3A_511 = arith.addi %add3A_409, %add3A_510 : i32
      %dma_start3A_512 = arith.constant 2 : i32
      %dma_start3A_513 = arith.constant 2 : i32
      %dma_start3A_514 = arith.constant 0 : i32
      %dma_start3A_515 = arith.constant 0 : i32
      %dma_start3A_516 = tpu.memref_slice %arg6[%dma_start3A_512, %dma_start3A_514, %dma_start3A_515] : memref<5x128x128xf32, #tpu.memory_space<vmem>> -> memref<1x128x128xf32, #tpu.memory_space<vmem>>
      %dma_start3A_517 = tpu.memref_squeeze %dma_start3A_516 : memref<1x128x128xf32, #tpu.memory_space<vmem>> -> memref<128x128xf32, #tpu.memory_space<vmem>>
      %dma_start3A_518 = arith.constant 0 : i32
      %dma_start3A_519 = arith.constant 0 : i32
      %dma_start3A_520 = tpu.memref_slice %arg4[%add3A_511, %dma_start3A_518, %dma_start3A_519] : memref<50x4096x128xf32, #tpu.memory_space<hbm>> -> memref<1x4096x128xf32, #tpu.memory_space<hbm>>
      %dma_start3A_521 = tpu.memref_squeeze %dma_start3A_520 : memref<1x4096x128xf32, #tpu.memory_space<hbm>> -> memref<4096x128xf32, #tpu.memory_space<hbm>>
      %dma_start3A_522 = arith.constant 0 : i32
      %dma_start3A_523 = tpu.memref_slice %dma_start3A_521[%mul3A_2, %dma_start3A_522] : memref<4096x128xf32, #tpu.memory_space<hbm>> -> memref<128x128xf32, #tpu.memory_space<hbm>>
      %dma_start3A_524 = tpu.memref_slice %arg8[%dma_start3A_513] : memref<5x!tpu.dma_semaphore, #tpu.memory_space<semaphore_mem>> -> memref<1x!tpu.dma_semaphore, #tpu.memory_space<semaphore_mem>>
      %dma_start3A_525 = tpu.memref_squeeze %dma_start3A_524 : memref<1x!tpu.dma_semaphore, #tpu.memory_space<semaphore_mem>> -> memref<!tpu.dma_semaphore, #tpu.memory_space<semaphore_mem>>
      %dma_start3A_526 = arith.constant 0 : i32
      %dma_start3A_527 = arith.constant 0 : i32
      %dma_start3A_528 = tpu.memref_slice %arg4[%add3A_511, %dma_start3A_526, %dma_start3A_527] : memref<50x4096x128xf32, #tpu.memory_space<hbm>> -> memref<1x4096x128xf32, #tpu.memory_space<hbm>>
      %dma_start3A_529 = tpu.memref_squeeze %dma_start3A_528 : memref<1x4096x128xf32, #tpu.memory_space<hbm>> -> memref<4096x128xf32, #tpu.memory_space<hbm>>
      %dma_start3A_530 = arith.constant 0 : i32
      %dma_start3A_531 = tpu.memref_slice %dma_start3A_529[%mul3A_2, %dma_start3A_530] : memref<4096x128xf32, #tpu.memory_space<hbm>> -> memref<128x128xf32, #tpu.memory_space<hbm>>
      %dma_start3A_532 = arith.constant 0 : i32
      %dma_start3A_533 = arith.constant 0 : i32
      %dma_start3A_534 = tpu.memref_slice %arg6[%dma_start3A_512, %dma_start3A_532, %dma_start3A_533] : memref<5x128x128xf32, #tpu.memory_space<vmem>> -> memref<1x128x128xf32, #tpu.memory_space<vmem>>
      %dma_start3A_535 = tpu.memref_squeeze %dma_start3A_534 : memref<1x128x128xf32, #tpu.memory_space<vmem>> -> memref<128x128xf32, #tpu.memory_space<vmem>>
      tpu.enqueue_dma source(%dma_start3A_535 : memref<128x128xf32, #tpu.memory_space<vmem>>) target(%dma_start3A_531 : memref<128x128xf32, #tpu.memory_space<hbm>>) target_semaphore(%dma_start3A_525 : memref<!tpu.dma_semaphore, #tpu.memory_space<semaphore_mem>>)
      %add3A_536 = arith.constant 3 : i32
      %add3A_537 = arith.addi %add3A_409, %add3A_536 : i32
      %dma_wait3A_538 = arith.constant 3 : i32
      %dma_wait3A_539 = arith.constant 3 : i32
      %dma_wait3A_540 = arith.constant 0 : i32
      %dma_wait3A_541 = arith.constant 0 : i32
      %dma_wait3A_542 = tpu.memref_slice %arg6[%dma_wait3A_538, %dma_wait3A_540, %dma_wait3A_541] : memref<5x128x128xf32, #tpu.memory_space<vmem>> -> memref<1x128x128xf32, #tpu.memory_space<vmem>>
      %dma_wait3A_543 = tpu.memref_squeeze %dma_wait3A_542 : memref<1x128x128xf32, #tpu.memory_space<vmem>> -> memref<128x128xf32, #tpu.memory_space<vmem>>
      %dma_wait3A_544 = arith.constant 0 : i32
      %dma_wait3A_545 = tpu.memref_slice %arg5[%add3A_537, %dma_wait3A_544] : memref<50x128xi32, #tpu.memory_space<vmem>> -> memref<1x128xi32, #tpu.memory_space<vmem>>
      %dma_wait3A_546 = tpu.memref_squeeze %dma_wait3A_545 : memref<1x128xi32, #tpu.memory_space<vmem>> -> memref<128xi32, #tpu.memory_space<vmem>>
      %dma_wait3A_547 = arith.constant 0 : i32
      %dma_wait3A_548 = arith.constant 0 : i32
      %dma_wait3A_549 = tpu.memref_slice %arg3[%dma_wait3A_547, %dma_wait3A_548] : memref<100000x128xf32, #tpu.memory_space<hbm>> -> memref<100000x128xf32, #tpu.memory_space<hbm>>
      %dma_wait3A_550 = tpu.memref_slice %arg7[%dma_wait3A_539] : memref<5x!tpu.dma_semaphore, #tpu.memory_space<semaphore_mem>> -> memref<1x!tpu.dma_semaphore, #tpu.memory_space<semaphore_mem>>
      %dma_wait3A_551 = tpu.memref_squeeze %dma_wait3A_550 : memref<1x!tpu.dma_semaphore, #tpu.memory_space<semaphore_mem>> -> memref<!tpu.dma_semaphore, #tpu.memory_space<semaphore_mem>>
      tpu.wait_indirect_dma semaphore(%dma_wait3A_551 : memref<!tpu.dma_semaphore, #tpu.memory_space<semaphore_mem>>) src(%dma_wait3A_549 : memref<100000x128xf32, #tpu.memory_space<hbm>>) dst(%dma_wait3A_543 : memref<128x128xf32, #tpu.memory_space<vmem>>)
      %add3A_552 = arith.constant 3 : i32
      %add3A_553 = arith.addi %add3A_409, %add3A_552 : i32
      %dma_start3A_554 = arith.constant 3 : i32
      %dma_start3A_555 = arith.constant 3 : i32
      %dma_start3A_556 = arith.constant 0 : i32
      %dma_start3A_557 = arith.constant 0 : i32
      %dma_start3A_558 = tpu.memref_slice %arg6[%dma_start3A_554, %dma_start3A_556, %dma_start3A_557] : memref<5x128x128xf32, #tpu.memory_space<vmem>> -> memref<1x128x128xf32, #tpu.memory_space<vmem>>
      %dma_start3A_559 = tpu.memref_squeeze %dma_start3A_558 : memref<1x128x128xf32, #tpu.memory_space<vmem>> -> memref<128x128xf32, #tpu.memory_space<vmem>>
      %dma_start3A_560 = arith.constant 0 : i32
      %dma_start3A_561 = arith.constant 0 : i32
      %dma_start3A_562 = tpu.memref_slice %arg4[%add3A_553, %dma_start3A_560, %dma_start3A_561] : memref<50x4096x128xf32, #tpu.memory_space<hbm>> -> memref<1x4096x128xf32, #tpu.memory_space<hbm>>
      %dma_start3A_563 = tpu.memref_squeeze %dma_start3A_562 : memref<1x4096x128xf32, #tpu.memory_space<hbm>> -> memref<4096x128xf32, #tpu.memory_space<hbm>>
      %dma_start3A_564 = arith.constant 0 : i32
      %dma_start3A_565 = tpu.memref_slice %dma_start3A_563[%mul3A_2, %dma_start3A_564] : memref<4096x128xf32, #tpu.memory_space<hbm>> -> memref<128x128xf32, #tpu.memory_space<hbm>>
      %dma_start3A_566 = tpu.memref_slice %arg8[%dma_start3A_555] : memref<5x!tpu.dma_semaphore, #tpu.memory_space<semaphore_mem>> -> memref<1x!tpu.dma_semaphore, #tpu.memory_space<semaphore_mem>>
      %dma_start3A_567 = tpu.memref_squeeze %dma_start3A_566 : memref<1x!tpu.dma_semaphore, #tpu.memory_space<semaphore_mem>> -> memref<!tpu.dma_semaphore, #tpu.memory_space<semaphore_mem>>
      %dma_start3A_568 = arith.constant 0 : i32
      %dma_start3A_569 = arith.constant 0 : i32
      %dma_start3A_570 = tpu.memref_slice %arg4[%add3A_553, %dma_start3A_568, %dma_start3A_569] : memref<50x4096x128xf32, #tpu.memory_space<hbm>> -> memref<1x4096x128xf32, #tpu.memory_space<hbm>>
      %dma_start3A_571 = tpu.memref_squeeze %dma_start3A_570 : memref<1x4096x128xf32, #tpu.memory_space<hbm>> -> memref<4096x128xf32, #tpu.memory_space<hbm>>
      %dma_start3A_572 = arith.constant 0 : i32
      %dma_start3A_573 = tpu.memref_slice %dma_start3A_571[%mul3A_2, %dma_start3A_572] : memref<4096x128xf32, #tpu.memory_space<hbm>> -> memref<128x128xf32, #tpu.memory_space<hbm>>
      %dma_start3A_574 = arith.constant 0 : i32
      %dma_start3A_575 = arith.constant 0 : i32
      %dma_start3A_576 = tpu.memref_slice %arg6[%dma_start3A_554, %dma_start3A_574, %dma_start3A_575] : memref<5x128x128xf32, #tpu.memory_space<vmem>> -> memref<1x128x128xf32, #tpu.memory_space<vmem>>
      %dma_start3A_577 = tpu.memref_squeeze %dma_start3A_576 : memref<1x128x128xf32, #tpu.memory_space<vmem>> -> memref<128x128xf32, #tpu.memory_space<vmem>>
      tpu.enqueue_dma source(%dma_start3A_577 : memref<128x128xf32, #tpu.memory_space<vmem>>) target(%dma_start3A_573 : memref<128x128xf32, #tpu.memory_space<hbm>>) target_semaphore(%dma_start3A_567 : memref<!tpu.dma_semaphore, #tpu.memory_space<semaphore_mem>>)
      %add3A_578 = arith.constant 4 : i32
      %add3A_579 = arith.addi %add3A_409, %add3A_578 : i32
      %dma_wait3A_580 = arith.constant 4 : i32
      %dma_wait3A_581 = arith.constant 4 : i32
      %dma_wait3A_582 = arith.constant 0 : i32
      %dma_wait3A_583 = arith.constant 0 : i32
      %dma_wait3A_584 = tpu.memref_slice %arg6[%dma_wait3A_580, %dma_wait3A_582, %dma_wait3A_583] : memref<5x128x128xf32, #tpu.memory_space<vmem>> -> memref<1x128x128xf32, #tpu.memory_space<vmem>>
      %dma_wait3A_585 = tpu.memref_squeeze %dma_wait3A_584 : memref<1x128x128xf32, #tpu.memory_space<vmem>> -> memref<128x128xf32, #tpu.memory_space<vmem>>
      %dma_wait3A_586 = arith.constant 0 : i32
      %dma_wait3A_587 = tpu.memref_slice %arg5[%add3A_579, %dma_wait3A_586] : memref<50x128xi32, #tpu.memory_space<vmem>> -> memref<1x128xi32, #tpu.memory_space<vmem>>
      %dma_wait3A_588 = tpu.memref_squeeze %dma_wait3A_587 : memref<1x128xi32, #tpu.memory_space<vmem>> -> memref<128xi32, #tpu.memory_space<vmem>>
      %dma_wait3A_589 = arith.constant 0 : i32
      %dma_wait3A_590 = arith.constant 0 : i32
      %dma_wait3A_591 = tpu.memref_slice %arg3[%dma_wait3A_589, %dma_wait3A_590] : memref<100000x128xf32, #tpu.memory_space<hbm>> -> memref<100000x128xf32, #tpu.memory_space<hbm>>
      %dma_wait3A_592 = tpu.memref_slice %arg7[%dma_wait3A_581] : memref<5x!tpu.dma_semaphore, #tpu.memory_space<semaphore_mem>> -> memref<1x!tpu.dma_semaphore, #tpu.memory_space<semaphore_mem>>
      %dma_wait3A_593 = tpu.memref_squeeze %dma_wait3A_592 : memref<1x!tpu.dma_semaphore, #tpu.memory_space<semaphore_mem>> -> memref<!tpu.dma_semaphore, #tpu.memory_space<semaphore_mem>>
      tpu.wait_indirect_dma semaphore(%dma_wait3A_593 : memref<!tpu.dma_semaphore, #tpu.memory_space<semaphore_mem>>) src(%dma_wait3A_591 : memref<100000x128xf32, #tpu.memory_space<hbm>>) dst(%dma_wait3A_585 : memref<128x128xf32, #tpu.memory_space<vmem>>)
      %add3A_594 = arith.constant 4 : i32
      %add3A_595 = arith.addi %add3A_409, %add3A_594 : i32
      %dma_start3A_596 = arith.constant 4 : i32
      %dma_start3A_597 = arith.constant 4 : i32
      %dma_start3A_598 = arith.constant 0 : i32
      %dma_start3A_599 = arith.constant 0 : i32
      %dma_start3A_600 = tpu.memref_slice %arg6[%dma_start3A_596, %dma_start3A_598, %dma_start3A_599] : memref<5x128x128xf32, #tpu.memory_space<vmem>> -> memref<1x128x128xf32, #tpu.memory_space<vmem>>
      %dma_start3A_601 = tpu.memref_squeeze %dma_start3A_600 : memref<1x128x128xf32, #tpu.memory_space<vmem>> -> memref<128x128xf32, #tpu.memory_space<vmem>>
      %dma_start3A_602 = arith.constant 0 : i32
      %dma_start3A_603 = arith.constant 0 : i32
      %dma_start3A_604 = tpu.memref_slice %arg4[%add3A_595, %dma_start3A_602, %dma_start3A_603] : memref<50x4096x128xf32, #tpu.memory_space<hbm>> -> memref<1x4096x128xf32, #tpu.memory_space<hbm>>
      %dma_start3A_605 = tpu.memref_squeeze %dma_start3A_604 : memref<1x4096x128xf32, #tpu.memory_space<hbm>> -> memref<4096x128xf32, #tpu.memory_space<hbm>>
      %dma_start3A_606 = arith.constant 0 : i32
      %dma_start3A_607 = tpu.memref_slice %dma_start3A_605[%mul3A_2, %dma_start3A_606] : memref<4096x128xf32, #tpu.memory_space<hbm>> -> memref<128x128xf32, #tpu.memory_space<hbm>>
      %dma_start3A_608 = tpu.memref_slice %arg8[%dma_start3A_597] : memref<5x!tpu.dma_semaphore, #tpu.memory_space<semaphore_mem>> -> memref<1x!tpu.dma_semaphore, #tpu.memory_space<semaphore_mem>>
      %dma_start3A_609 = tpu.memref_squeeze %dma_start3A_608 : memref<1x!tpu.dma_semaphore, #tpu.memory_space<semaphore_mem>> -> memref<!tpu.dma_semaphore, #tpu.memory_space<semaphore_mem>>
      %dma_start3A_610 = arith.constant 0 : i32
      %dma_start3A_611 = arith.constant 0 : i32
      %dma_start3A_612 = tpu.memref_slice %arg4[%add3A_595, %dma_start3A_610, %dma_start3A_611] : memref<50x4096x128xf32, #tpu.memory_space<hbm>> -> memref<1x4096x128xf32, #tpu.memory_space<hbm>>
      %dma_start3A_613 = tpu.memref_squeeze %dma_start3A_612 : memref<1x4096x128xf32, #tpu.memory_space<hbm>> -> memref<4096x128xf32, #tpu.memory_space<hbm>>
      %dma_start3A_614 = arith.constant 0 : i32
      %dma_start3A_615 = tpu.memref_slice %dma_start3A_613[%mul3A_2, %dma_start3A_614] : memref<4096x128xf32, #tpu.memory_space<hbm>> -> memref<128x128xf32, #tpu.memory_space<hbm>>
      %dma_start3A_616 = arith.constant 0 : i32
      %dma_start3A_617 = arith.constant 0 : i32
      %dma_start3A_618 = tpu.memref_slice %arg6[%dma_start3A_596, %dma_start3A_616, %dma_start3A_617] : memref<5x128x128xf32, #tpu.memory_space<vmem>> -> memref<1x128x128xf32, #tpu.memory_space<vmem>>
      %dma_start3A_619 = tpu.memref_squeeze %dma_start3A_618 : memref<1x128x128xf32, #tpu.memory_space<vmem>> -> memref<128x128xf32, #tpu.memory_space<vmem>>
      tpu.enqueue_dma source(%dma_start3A_619 : memref<128x128xf32, #tpu.memory_space<vmem>>) target(%dma_start3A_615 : memref<128x128xf32, #tpu.memory_space<hbm>>) target_semaphore(%dma_start3A_609 : memref<!tpu.dma_semaphore, #tpu.memory_space<semaphore_mem>>)
      %add3A_620 = arith.constant 0 : i32
      %add3A_621 = arith.addi %add3A_409, %add3A_620 : i32
      %dma_wait3A_622 = arith.constant 0 : i32
      %dma_wait3A_623 = arith.constant 0 : i32
      %dma_wait3A_624 = arith.constant 0 : i32
      %dma_wait3A_625 = arith.constant 0 : i32
      %dma_wait3A_626 = tpu.memref_slice %arg6[%dma_wait3A_622, %dma_wait3A_624, %dma_wait3A_625] : memref<5x128x128xf32, #tpu.memory_space<vmem>> -> memref<1x128x128xf32, #tpu.memory_space<vmem>>
      %dma_wait3A_627 = tpu.memref_squeeze %dma_wait3A_626 : memref<1x128x128xf32, #tpu.memory_space<vmem>> -> memref<128x128xf32, #tpu.memory_space<vmem>>
      %dma_wait3A_628 = arith.constant 0 : i32
      %dma_wait3A_629 = arith.constant 0 : i32
      %dma_wait3A_630 = tpu.memref_slice %arg4[%add3A_621, %dma_wait3A_628, %dma_wait3A_629] : memref<50x4096x128xf32, #tpu.memory_space<hbm>> -> memref<1x4096x128xf32, #tpu.memory_space<hbm>>
      %dma_wait3A_631 = tpu.memref_squeeze %dma_wait3A_630 : memref<1x4096x128xf32, #tpu.memory_space<hbm>> -> memref<4096x128xf32, #tpu.memory_space<hbm>>
      %dma_wait3A_632 = arith.constant 0 : i32
      %dma_wait3A_633 = tpu.memref_slice %dma_wait3A_631[%mul3A_2, %dma_wait3A_632] : memref<4096x128xf32, #tpu.memory_space<hbm>> -> memref<128x128xf32, #tpu.memory_space<hbm>>
      %dma_wait3A_634 = tpu.memref_slice %arg8[%dma_wait3A_623] : memref<5x!tpu.dma_semaphore, #tpu.memory_space<semaphore_mem>> -> memref<1x!tpu.dma_semaphore, #tpu.memory_space<semaphore_mem>>
      %dma_wait3A_635 = tpu.memref_squeeze %dma_wait3A_634 : memref<1x!tpu.dma_semaphore, #tpu.memory_space<semaphore_mem>> -> memref<!tpu.dma_semaphore, #tpu.memory_space<semaphore_mem>>
      %dma_wait3A_636 = arith.constant 0 : i32
      %dma_wait3A_637 = arith.constant 0 : i32
      %dma_wait3A_638 = tpu.memref_slice %arg4[%add3A_621, %dma_wait3A_636, %dma_wait3A_637] : memref<50x4096x128xf32, #tpu.memory_space<hbm>> -> memref<1x4096x128xf32, #tpu.memory_space<hbm>>
      %dma_wait3A_639 = tpu.memref_squeeze %dma_wait3A_638 : memref<1x4096x128xf32, #tpu.memory_space<hbm>> -> memref<4096x128xf32, #tpu.memory_space<hbm>>
      %dma_wait3A_640 = arith.constant 0 : i32
      %dma_wait3A_641 = tpu.memref_slice %dma_wait3A_639[%mul3A_2, %dma_wait3A_640] : memref<4096x128xf32, #tpu.memory_space<hbm>> -> memref<128x128xf32, #tpu.memory_space<hbm>>
      %dma_wait3A_642 = arith.constant 0 : i32
      %dma_wait3A_643 = arith.constant 0 : i32
      %dma_wait3A_644 = tpu.memref_slice %arg6[%dma_wait3A_622, %dma_wait3A_642, %dma_wait3A_643] : memref<5x128x128xf32, #tpu.memory_space<vmem>> -> memref<1x128x128xf32, #tpu.memory_space<vmem>>
      %dma_wait3A_645 = tpu.memref_squeeze %dma_wait3A_644 : memref<1x128x128xf32, #tpu.memory_space<vmem>> -> memref<128x128xf32, #tpu.memory_space<vmem>>
      tpu.wait_dma2 semaphore(%dma_wait3A_635 : memref<!tpu.dma_semaphore, #tpu.memory_space<semaphore_mem>>) src(%dma_wait3A_645 : memref<128x128xf32, #tpu.memory_space<vmem>>) dst(%dma_wait3A_641 : memref<128x128xf32, #tpu.memory_space<hbm>>)
      %add3A_646 = arith.constant 5 : i32
      %add3A_647 = arith.addi %add3A_409, %add3A_646 : i32
      %add3A_648 = arith.constant 0 : i32
      %add3A_649 = arith.addi %add3A_647, %add3A_648 : i32
      %dma_start3A_650 = arith.constant 0 : i32
      %dma_start3A_651 = arith.constant 0 : i32
      %dma_start3A_652 = arith.constant 0 : i32
      %dma_start3A_653 = arith.constant 0 : i32
      %dma_start3A_654 = tpu.memref_slice %arg6[%dma_start3A_650, %dma_start3A_652, %dma_start3A_653] : memref<5x128x128xf32, #tpu.memory_space<vmem>> -> memref<1x128x128xf32, #tpu.memory_space<vmem>>
      %dma_start3A_655 = tpu.memref_squeeze %dma_start3A_654 : memref<1x128x128xf32, #tpu.memory_space<vmem>> -> memref<128x128xf32, #tpu.memory_space<vmem>>
      %dma_start3A_656 = arith.constant 0 : i32
      %dma_start3A_657 = tpu.memref_slice %arg5[%add3A_649, %dma_start3A_656] : memref<50x128xi32, #tpu.memory_space<vmem>> -> memref<1x128xi32, #tpu.memory_space<vmem>>
      %dma_start3A_658 = tpu.memref_squeeze %dma_start3A_657 : memref<1x128xi32, #tpu.memory_space<vmem>> -> memref<128xi32, #tpu.memory_space<vmem>>
      %dma_start3A_659 = arith.constant 0 : i32
      %dma_start3A_660 = arith.constant 0 : i32
      %dma_start3A_661 = tpu.memref_slice %arg3[%dma_start3A_659, %dma_start3A_660] : memref<100000x128xf32, #tpu.memory_space<hbm>> -> memref<100000x128xf32, #tpu.memory_space<hbm>>
      %dma_start3A_662 = tpu.memref_slice %arg7[%dma_start3A_651] : memref<5x!tpu.dma_semaphore, #tpu.memory_space<semaphore_mem>> -> memref<1x!tpu.dma_semaphore, #tpu.memory_space<semaphore_mem>>
      %dma_start3A_663 = tpu.memref_squeeze %dma_start3A_662 : memref<1x!tpu.dma_semaphore, #tpu.memory_space<semaphore_mem>> -> memref<!tpu.dma_semaphore, #tpu.memory_space<semaphore_mem>>
      tpu.enqueue_indirect_dma source(%dma_start3A_661 : memref<100000x128xf32, #tpu.memory_space<hbm>>) target(%dma_start3A_655 : memref<128x128xf32, #tpu.memory_space<vmem>>) offsets(%dma_start3A_658 : memref<128xi32, #tpu.memory_space<vmem>>) semaphore(%dma_start3A_663 : memref<!tpu.dma_semaphore, #tpu.memory_space<semaphore_mem>>)
      %add3A_664 = arith.constant 1 : i32
      %add3A_665 = arith.addi %add3A_409, %add3A_664 : i32
      %dma_wait3A_666 = arith.constant 1 : i32
      %dma_wait3A_667 = arith.constant 1 : i32
      %dma_wait3A_668 = arith.constant 0 : i32
      %dma_wait3A_669 = arith.constant 0 : i32
      %dma_wait3A_670 = tpu.memref_slice %arg6[%dma_wait3A_666, %dma_wait3A_668, %dma_wait3A_669] : memref<5x128x128xf32, #tpu.memory_space<vmem>> -> memref<1x128x128xf32, #tpu.memory_space<vmem>>
      %dma_wait3A_671 = tpu.memref_squeeze %dma_wait3A_670 : memref<1x128x128xf32, #tpu.memory_space<vmem>> -> memref<128x128xf32, #tpu.memory_space<vmem>>
      %dma_wait3A_672 = arith.constant 0 : i32
      %dma_wait3A_673 = arith.constant 0 : i32
      %dma_wait3A_674 = tpu.memref_slice %arg4[%add3A_665, %dma_wait3A_672, %dma_wait3A_673] : memref<50x4096x128xf32, #tpu.memory_space<hbm>> -> memref<1x4096x128xf32, #tpu.memory_space<hbm>>
      %dma_wait3A_675 = tpu.memref_squeeze %dma_wait3A_674 : memref<1x4096x128xf32, #tpu.memory_space<hbm>> -> memref<4096x128xf32, #tpu.memory_space<hbm>>
      %dma_wait3A_676 = arith.constant 0 : i32
      %dma_wait3A_677 = tpu.memref_slice %dma_wait3A_675[%mul3A_2, %dma_wait3A_676] : memref<4096x128xf32, #tpu.memory_space<hbm>> -> memref<128x128xf32, #tpu.memory_space<hbm>>
      %dma_wait3A_678 = tpu.memref_slice %arg8[%dma_wait3A_667] : memref<5x!tpu.dma_semaphore, #tpu.memory_space<semaphore_mem>> -> memref<1x!tpu.dma_semaphore, #tpu.memory_space<semaphore_mem>>
      %dma_wait3A_679 = tpu.memref_squeeze %dma_wait3A_678 : memref<1x!tpu.dma_semaphore, #tpu.memory_space<semaphore_mem>> -> memref<!tpu.dma_semaphore, #tpu.memory_space<semaphore_mem>>
      %dma_wait3A_680 = arith.constant 0 : i32
      %dma_wait3A_681 = arith.constant 0 : i32
      %dma_wait3A_682 = tpu.memref_slice %arg4[%add3A_665, %dma_wait3A_680, %dma_wait3A_681] : memref<50x4096x128xf32, #tpu.memory_space<hbm>> -> memref<1x4096x128xf32, #tpu.memory_space<hbm>>
      %dma_wait3A_683 = tpu.memref_squeeze %dma_wait3A_682 : memref<1x4096x128xf32, #tpu.memory_space<hbm>> -> memref<4096x128xf32, #tpu.memory_space<hbm>>
      %dma_wait3A_684 = arith.constant 0 : i32
      %dma_wait3A_685 = tpu.memref_slice %dma_wait3A_683[%mul3A_2, %dma_wait3A_684] : memref<4096x128xf32, #tpu.memory_space<hbm>> -> memref<128x128xf32, #tpu.memory_space<hbm>>
      %dma_wait3A_686 = arith.constant 0 : i32
      %dma_wait3A_687 = arith.constant 0 : i32
      %dma_wait3A_688 = tpu.memref_slice %arg6[%dma_wait3A_666, %dma_wait3A_686, %dma_wait3A_687] : memref<5x128x128xf32, #tpu.memory_space<vmem>> -> memref<1x128x128xf32, #tpu.memory_space<vmem>>
      %dma_wait3A_689 = tpu.memref_squeeze %dma_wait3A_688 : memref<1x128x128xf32, #tpu.memory_space<vmem>> -> memref<128x128xf32, #tpu.memory_space<vmem>>
      tpu.wait_dma2 semaphore(%dma_wait3A_679 : memref<!tpu.dma_semaphore, #tpu.memory_space<semaphore_mem>>) src(%dma_wait3A_689 : memref<128x128xf32, #tpu.memory_space<vmem>>) dst(%dma_wait3A_685 : memref<128x128xf32, #tpu.memory_space<hbm>>)
      %add3A_690 = arith.constant 5 : i32
      %add3A_691 = arith.addi %add3A_409, %add3A_690 : i32
      %add3A_692 = arith.constant 1 : i32
      %add3A_693 = arith.addi %add3A_691, %add3A_692 : i32
      %dma_start3A_694 = arith.constant 1 : i32
      %dma_start3A_695 = arith.constant 1 : i32
      %dma_start3A_696 = arith.constant 0 : i32
      %dma_start3A_697 = arith.constant 0 : i32
      %dma_start3A_698 = tpu.memref_slice %arg6[%dma_start3A_694, %dma_start3A_696, %dma_start3A_697] : memref<5x128x128xf32, #tpu.memory_space<vmem>> -> memref<1x128x128xf32, #tpu.memory_space<vmem>>
      %dma_start3A_699 = tpu.memref_squeeze %dma_start3A_698 : memref<1x128x128xf32, #tpu.memory_space<vmem>> -> memref<128x128xf32, #tpu.memory_space<vmem>>
      %dma_start3A_700 = arith.constant 0 : i32
      %dma_start3A_701 = tpu.memref_slice %arg5[%add3A_693, %dma_start3A_700] : memref<50x128xi32, #tpu.memory_space<vmem>> -> memref<1x128xi32, #tpu.memory_space<vmem>>
      %dma_start3A_702 = tpu.memref_squeeze %dma_start3A_701 : memref<1x128xi32, #tpu.memory_space<vmem>> -> memref<128xi32, #tpu.memory_space<vmem>>
      %dma_start3A_703 = arith.constant 0 : i32
      %dma_start3A_704 = arith.constant 0 : i32
      %dma_start3A_705 = tpu.memref_slice %arg3[%dma_start3A_703, %dma_start3A_704] : memref<100000x128xf32, #tpu.memory_space<hbm>> -> memref<100000x128xf32, #tpu.memory_space<hbm>>
      %dma_start3A_706 = tpu.memref_slice %arg7[%dma_start3A_695] : memref<5x!tpu.dma_semaphore, #tpu.memory_space<semaphore_mem>> -> memref<1x!tpu.dma_semaphore, #tpu.memory_space<semaphore_mem>>
      %dma_start3A_707 = tpu.memref_squeeze %dma_start3A_706 : memref<1x!tpu.dma_semaphore, #tpu.memory_space<semaphore_mem>> -> memref<!tpu.dma_semaphore, #tpu.memory_space<semaphore_mem>>
      tpu.enqueue_indirect_dma source(%dma_start3A_705 : memref<100000x128xf32, #tpu.memory_space<hbm>>) target(%dma_start3A_699 : memref<128x128xf32, #tpu.memory_space<vmem>>) offsets(%dma_start3A_702 : memref<128xi32, #tpu.memory_space<vmem>>) semaphore(%dma_start3A_707 : memref<!tpu.dma_semaphore, #tpu.memory_space<semaphore_mem>>)
      %add3A_708 = arith.constant 2 : i32
      %add3A_709 = arith.addi %add3A_409, %add3A_708 : i32
      %dma_wait3A_710 = arith.constant 2 : i32
      %dma_wait3A_711 = arith.constant 2 : i32
      %dma_wait3A_712 = arith.constant 0 : i32
      %dma_wait3A_713 = arith.constant 0 : i32
      %dma_wait3A_714 = tpu.memref_slice %arg6[%dma_wait3A_710, %dma_wait3A_712, %dma_wait3A_713] : memref<5x128x128xf32, #tpu.memory_space<vmem>> -> memref<1x128x128xf32, #tpu.memory_space<vmem>>
      %dma_wait3A_715 = tpu.memref_squeeze %dma_wait3A_714 : memref<1x128x128xf32, #tpu.memory_space<vmem>> -> memref<128x128xf32, #tpu.memory_space<vmem>>
      %dma_wait3A_716 = arith.constant 0 : i32
      %dma_wait3A_717 = arith.constant 0 : i32
      %dma_wait3A_718 = tpu.memref_slice %arg4[%add3A_709, %dma_wait3A_716, %dma_wait3A_717] : memref<50x4096x128xf32, #tpu.memory_space<hbm>> -> memref<1x4096x128xf32, #tpu.memory_space<hbm>>
      %dma_wait3A_719 = tpu.memref_squeeze %dma_wait3A_718 : memref<1x4096x128xf32, #tpu.memory_space<hbm>> -> memref<4096x128xf32, #tpu.memory_space<hbm>>
      %dma_wait3A_720 = arith.constant 0 : i32
      %dma_wait3A_721 = tpu.memref_slice %dma_wait3A_719[%mul3A_2, %dma_wait3A_720] : memref<4096x128xf32, #tpu.memory_space<hbm>> -> memref<128x128xf32, #tpu.memory_space<hbm>>
      %dma_wait3A_722 = tpu.memref_slice %arg8[%dma_wait3A_711] : memref<5x!tpu.dma_semaphore, #tpu.memory_space<semaphore_mem>> -> memref<1x!tpu.dma_semaphore, #tpu.memory_space<semaphore_mem>>
      %dma_wait3A_723 = tpu.memref_squeeze %dma_wait3A_722 : memref<1x!tpu.dma_semaphore, #tpu.memory_space<semaphore_mem>> -> memref<!tpu.dma_semaphore, #tpu.memory_space<semaphore_mem>>
      %dma_wait3A_724 = arith.constant 0 : i32
      %dma_wait3A_725 = arith.constant 0 : i32
      %dma_wait3A_726 = tpu.memref_slice %arg4[%add3A_709, %dma_wait3A_724, %dma_wait3A_725] : memref<50x4096x128xf32, #tpu.memory_space<hbm>> -> memref<1x4096x128xf32, #tpu.memory_space<hbm>>
      %dma_wait3A_727 = tpu.memref_squeeze %dma_wait3A_726 : memref<1x4096x128xf32, #tpu.memory_space<hbm>> -> memref<4096x128xf32, #tpu.memory_space<hbm>>
      %dma_wait3A_728 = arith.constant 0 : i32
      %dma_wait3A_729 = tpu.memref_slice %dma_wait3A_727[%mul3A_2, %dma_wait3A_728] : memref<4096x128xf32, #tpu.memory_space<hbm>> -> memref<128x128xf32, #tpu.memory_space<hbm>>
      %dma_wait3A_730 = arith.constant 0 : i32
      %dma_wait3A_731 = arith.constant 0 : i32
      %dma_wait3A_732 = tpu.memref_slice %arg6[%dma_wait3A_710, %dma_wait3A_730, %dma_wait3A_731] : memref<5x128x128xf32, #tpu.memory_space<vmem>> -> memref<1x128x128xf32, #tpu.memory_space<vmem>>
      %dma_wait3A_733 = tpu.memref_squeeze %dma_wait3A_732 : memref<1x128x128xf32, #tpu.memory_space<vmem>> -> memref<128x128xf32, #tpu.memory_space<vmem>>
      tpu.wait_dma2 semaphore(%dma_wait3A_723 : memref<!tpu.dma_semaphore, #tpu.memory_space<semaphore_mem>>) src(%dma_wait3A_733 : memref<128x128xf32, #tpu.memory_space<vmem>>) dst(%dma_wait3A_729 : memref<128x128xf32, #tpu.memory_space<hbm>>)
      %add3A_734 = arith.constant 5 : i32
      %add3A_735 = arith.addi %add3A_409, %add3A_734 : i32
      %add3A_736 = arith.constant 2 : i32
      %add3A_737 = arith.addi %add3A_735, %add3A_736 : i32
      %dma_start3A_738 = arith.constant 2 : i32
      %dma_start3A_739 = arith.constant 2 : i32
      %dma_start3A_740 = arith.constant 0 : i32
      %dma_start3A_741 = arith.constant 0 : i32
      %dma_start3A_742 = tpu.memref_slice %arg6[%dma_start3A_738, %dma_start3A_740, %dma_start3A_741] : memref<5x128x128xf32, #tpu.memory_space<vmem>> -> memref<1x128x128xf32, #tpu.memory_space<vmem>>
      %dma_start3A_743 = tpu.memref_squeeze %dma_start3A_742 : memref<1x128x128xf32, #tpu.memory_space<vmem>> -> memref<128x128xf32, #tpu.memory_space<vmem>>
      %dma_start3A_744 = arith.constant 0 : i32
      %dma_start3A_745 = tpu.memref_slice %arg5[%add3A_737, %dma_start3A_744] : memref<50x128xi32, #tpu.memory_space<vmem>> -> memref<1x128xi32, #tpu.memory_space<vmem>>
      %dma_start3A_746 = tpu.memref_squeeze %dma_start3A_745 : memref<1x128xi32, #tpu.memory_space<vmem>> -> memref<128xi32, #tpu.memory_space<vmem>>
      %dma_start3A_747 = arith.constant 0 : i32
      %dma_start3A_748 = arith.constant 0 : i32
      %dma_start3A_749 = tpu.memref_slice %arg3[%dma_start3A_747, %dma_start3A_748] : memref<100000x128xf32, #tpu.memory_space<hbm>> -> memref<100000x128xf32, #tpu.memory_space<hbm>>
      %dma_start3A_750 = tpu.memref_slice %arg7[%dma_start3A_739] : memref<5x!tpu.dma_semaphore, #tpu.memory_space<semaphore_mem>> -> memref<1x!tpu.dma_semaphore, #tpu.memory_space<semaphore_mem>>
      %dma_start3A_751 = tpu.memref_squeeze %dma_start3A_750 : memref<1x!tpu.dma_semaphore, #tpu.memory_space<semaphore_mem>> -> memref<!tpu.dma_semaphore, #tpu.memory_space<semaphore_mem>>
      tpu.enqueue_indirect_dma source(%dma_start3A_749 : memref<100000x128xf32, #tpu.memory_space<hbm>>) target(%dma_start3A_743 : memref<128x128xf32, #tpu.memory_space<vmem>>) offsets(%dma_start3A_746 : memref<128xi32, #tpu.memory_space<vmem>>) semaphore(%dma_start3A_751 : memref<!tpu.dma_semaphore, #tpu.memory_space<semaphore_mem>>)
      %add3A_752 = arith.constant 3 : i32
      %add3A_753 = arith.addi %add3A_409, %add3A_752 : i32
      %dma_wait3A_754 = arith.constant 3 : i32
      %dma_wait3A_755 = arith.constant 3 : i32
      %dma_wait3A_756 = arith.constant 0 : i32
      %dma_wait3A_757 = arith.constant 0 : i32
      %dma_wait3A_758 = tpu.memref_slice %arg6[%dma_wait3A_754, %dma_wait3A_756, %dma_wait3A_757] : memref<5x128x128xf32, #tpu.memory_space<vmem>> -> memref<1x128x128xf32, #tpu.memory_space<vmem>>
      %dma_wait3A_759 = tpu.memref_squeeze %dma_wait3A_758 : memref<1x128x128xf32, #tpu.memory_space<vmem>> -> memref<128x128xf32, #tpu.memory_space<vmem>>
      %dma_wait3A_760 = arith.constant 0 : i32
      %dma_wait3A_761 = arith.constant 0 : i32
      %dma_wait3A_762 = tpu.memref_slice %arg4[%add3A_753, %dma_wait3A_760, %dma_wait3A_761] : memref<50x4096x128xf32, #tpu.memory_space<hbm>> -> memref<1x4096x128xf32, #tpu.memory_space<hbm>>
      %dma_wait3A_763 = tpu.memref_squeeze %dma_wait3A_762 : memref<1x4096x128xf32, #tpu.memory_space<hbm>> -> memref<4096x128xf32, #tpu.memory_space<hbm>>
      %dma_wait3A_764 = arith.constant 0 : i32
      %dma_wait3A_765 = tpu.memref_slice %dma_wait3A_763[%mul3A_2, %dma_wait3A_764] : memref<4096x128xf32, #tpu.memory_space<hbm>> -> memref<128x128xf32, #tpu.memory_space<hbm>>
      %dma_wait3A_766 = tpu.memref_slice %arg8[%dma_wait3A_755] : memref<5x!tpu.dma_semaphore, #tpu.memory_space<semaphore_mem>> -> memref<1x!tpu.dma_semaphore, #tpu.memory_space<semaphore_mem>>
      %dma_wait3A_767 = tpu.memref_squeeze %dma_wait3A_766 : memref<1x!tpu.dma_semaphore, #tpu.memory_space<semaphore_mem>> -> memref<!tpu.dma_semaphore, #tpu.memory_space<semaphore_mem>>
      %dma_wait3A_768 = arith.constant 0 : i32
      %dma_wait3A_769 = arith.constant 0 : i32
      %dma_wait3A_770 = tpu.memref_slice %arg4[%add3A_753, %dma_wait3A_768, %dma_wait3A_769] : memref<50x4096x128xf32, #tpu.memory_space<hbm>> -> memref<1x4096x128xf32, #tpu.memory_space<hbm>>
      %dma_wait3A_771 = tpu.memref_squeeze %dma_wait3A_770 : memref<1x4096x128xf32, #tpu.memory_space<hbm>> -> memref<4096x128xf32, #tpu.memory_space<hbm>>
      %dma_wait3A_772 = arith.constant 0 : i32
      %dma_wait3A_773 = tpu.memref_slice %dma_wait3A_771[%mul3A_2, %dma_wait3A_772] : memref<4096x128xf32, #tpu.memory_space<hbm>> -> memref<128x128xf32, #tpu.memory_space<hbm>>
      %dma_wait3A_774 = arith.constant 0 : i32
      %dma_wait3A_775 = arith.constant 0 : i32
      %dma_wait3A_776 = tpu.memref_slice %arg6[%dma_wait3A_754, %dma_wait3A_774, %dma_wait3A_775] : memref<5x128x128xf32, #tpu.memory_space<vmem>> -> memref<1x128x128xf32, #tpu.memory_space<vmem>>
      %dma_wait3A_777 = tpu.memref_squeeze %dma_wait3A_776 : memref<1x128x128xf32, #tpu.memory_space<vmem>> -> memref<128x128xf32, #tpu.memory_space<vmem>>
      tpu.wait_dma2 semaphore(%dma_wait3A_767 : memref<!tpu.dma_semaphore, #tpu.memory_space<semaphore_mem>>) src(%dma_wait3A_777 : memref<128x128xf32, #tpu.memory_space<vmem>>) dst(%dma_wait3A_773 : memref<128x128xf32, #tpu.memory_space<hbm>>)
      %add3A_778 = arith.constant 5 : i32
      %add3A_779 = arith.addi %add3A_409, %add3A_778 : i32
      %add3A_780 = arith.constant 3 : i32
      %add3A_781 = arith.addi %add3A_779, %add3A_780 : i32
      %dma_start3A_782 = arith.constant 3 : i32
      %dma_start3A_783 = arith.constant 3 : i32
      %dma_start3A_784 = arith.constant 0 : i32
      %dma_start3A_785 = arith.constant 0 : i32
      %dma_start3A_786 = tpu.memref_slice %arg6[%dma_start3A_782, %dma_start3A_784, %dma_start3A_785] : memref<5x128x128xf32, #tpu.memory_space<vmem>> -> memref<1x128x128xf32, #tpu.memory_space<vmem>>
      %dma_start3A_787 = tpu.memref_squeeze %dma_start3A_786 : memref<1x128x128xf32, #tpu.memory_space<vmem>> -> memref<128x128xf32, #tpu.memory_space<vmem>>
      %dma_start3A_788 = arith.constant 0 : i32
      %dma_start3A_789 = tpu.memref_slice %arg5[%add3A_781, %dma_start3A_788] : memref<50x128xi32, #tpu.memory_space<vmem>> -> memref<1x128xi32, #tpu.memory_space<vmem>>
      %dma_start3A_790 = tpu.memref_squeeze %dma_start3A_789 : memref<1x128xi32, #tpu.memory_space<vmem>> -> memref<128xi32, #tpu.memory_space<vmem>>
      %dma_start3A_791 = arith.constant 0 : i32
      %dma_start3A_792 = arith.constant 0 : i32
      %dma_start3A_793 = tpu.memref_slice %arg3[%dma_start3A_791, %dma_start3A_792] : memref<100000x128xf32, #tpu.memory_space<hbm>> -> memref<100000x128xf32, #tpu.memory_space<hbm>>
      %dma_start3A_794 = tpu.memref_slice %arg7[%dma_start3A_783] : memref<5x!tpu.dma_semaphore, #tpu.memory_space<semaphore_mem>> -> memref<1x!tpu.dma_semaphore, #tpu.memory_space<semaphore_mem>>
      %dma_start3A_795 = tpu.memref_squeeze %dma_start3A_794 : memref<1x!tpu.dma_semaphore, #tpu.memory_space<semaphore_mem>> -> memref<!tpu.dma_semaphore, #tpu.memory_space<semaphore_mem>>
      tpu.enqueue_indirect_dma source(%dma_start3A_793 : memref<100000x128xf32, #tpu.memory_space<hbm>>) target(%dma_start3A_787 : memref<128x128xf32, #tpu.memory_space<vmem>>) offsets(%dma_start3A_790 : memref<128xi32, #tpu.memory_space<vmem>>) semaphore(%dma_start3A_795 : memref<!tpu.dma_semaphore, #tpu.memory_space<semaphore_mem>>)
      %add3A_796 = arith.constant 4 : i32
      %add3A_797 = arith.addi %add3A_409, %add3A_796 : i32
      %dma_wait3A_798 = arith.constant 4 : i32
      %dma_wait3A_799 = arith.constant 4 : i32
      %dma_wait3A_800 = arith.constant 0 : i32
      %dma_wait3A_801 = arith.constant 0 : i32
      %dma_wait3A_802 = tpu.memref_slice %arg6[%dma_wait3A_798, %dma_wait3A_800, %dma_wait3A_801] : memref<5x128x128xf32, #tpu.memory_space<vmem>> -> memref<1x128x128xf32, #tpu.memory_space<vmem>>
      %dma_wait3A_803 = tpu.memref_squeeze %dma_wait3A_802 : memref<1x128x128xf32, #tpu.memory_space<vmem>> -> memref<128x128xf32, #tpu.memory_space<vmem>>
      %dma_wait3A_804 = arith.constant 0 : i32
      %dma_wait3A_805 = arith.constant 0 : i32
      %dma_wait3A_806 = tpu.memref_slice %arg4[%add3A_797, %dma_wait3A_804, %dma_wait3A_805] : memref<50x4096x128xf32, #tpu.memory_space<hbm>> -> memref<1x4096x128xf32, #tpu.memory_space<hbm>>
      %dma_wait3A_807 = tpu.memref_squeeze %dma_wait3A_806 : memref<1x4096x128xf32, #tpu.memory_space<hbm>> -> memref<4096x128xf32, #tpu.memory_space<hbm>>
      %dma_wait3A_808 = arith.constant 0 : i32
      %dma_wait3A_809 = tpu.memref_slice %dma_wait3A_807[%mul3A_2, %dma_wait3A_808] : memref<4096x128xf32, #tpu.memory_space<hbm>> -> memref<128x128xf32, #tpu.memory_space<hbm>>
      %dma_wait3A_810 = tpu.memref_slice %arg8[%dma_wait3A_799] : memref<5x!tpu.dma_semaphore, #tpu.memory_space<semaphore_mem>> -> memref<1x!tpu.dma_semaphore, #tpu.memory_space<semaphore_mem>>
      %dma_wait3A_811 = tpu.memref_squeeze %dma_wait3A_810 : memref<1x!tpu.dma_semaphore, #tpu.memory_space<semaphore_mem>> -> memref<!tpu.dma_semaphore, #tpu.memory_space<semaphore_mem>>
      %dma_wait3A_812 = arith.constant 0 : i32
      %dma_wait3A_813 = arith.constant 0 : i32
      %dma_wait3A_814 = tpu.memref_slice %arg4[%add3A_797, %dma_wait3A_812, %dma_wait3A_813] : memref<50x4096x128xf32, #tpu.memory_space<hbm>> -> memref<1x4096x128xf32, #tpu.memory_space<hbm>>
      %dma_wait3A_815 = tpu.memref_squeeze %dma_wait3A_814 : memref<1x4096x128xf32, #tpu.memory_space<hbm>> -> memref<4096x128xf32, #tpu.memory_space<hbm>>
      %dma_wait3A_816 = arith.constant 0 : i32
      %dma_wait3A_817 = tpu.memref_slice %dma_wait3A_815[%mul3A_2, %dma_wait3A_816] : memref<4096x128xf32, #tpu.memory_space<hbm>> -> memref<128x128xf32, #tpu.memory_space<hbm>>
      %dma_wait3A_818 = arith.constant 0 : i32
      %dma_wait3A_819 = arith.constant 0 : i32
      %dma_wait3A_820 = tpu.memref_slice %arg6[%dma_wait3A_798, %dma_wait3A_818, %dma_wait3A_819] : memref<5x128x128xf32, #tpu.memory_space<vmem>> -> memref<1x128x128xf32, #tpu.memory_space<vmem>>
      %dma_wait3A_821 = tpu.memref_squeeze %dma_wait3A_820 : memref<1x128x128xf32, #tpu.memory_space<vmem>> -> memref<128x128xf32, #tpu.memory_space<vmem>>
      tpu.wait_dma2 semaphore(%dma_wait3A_811 : memref<!tpu.dma_semaphore, #tpu.memory_space<semaphore_mem>>) src(%dma_wait3A_821 : memref<128x128xf32, #tpu.memory_space<vmem>>) dst(%dma_wait3A_817 : memref<128x128xf32, #tpu.memory_space<hbm>>)
      %add3A_822 = arith.constant 5 : i32
      %add3A_823 = arith.addi %add3A_409, %add3A_822 : i32
      %add3A_824 = arith.constant 4 : i32
      %add3A_825 = arith.addi %add3A_823, %add3A_824 : i32
      %dma_start3A_826 = arith.constant 4 : i32
      %dma_start3A_827 = arith.constant 4 : i32
      %dma_start3A_828 = arith.constant 0 : i32
      %dma_start3A_829 = arith.constant 0 : i32
      %dma_start3A_830 = tpu.memref_slice %arg6[%dma_start3A_826, %dma_start3A_828, %dma_start3A_829] : memref<5x128x128xf32, #tpu.memory_space<vmem>> -> memref<1x128x128xf32, #tpu.memory_space<vmem>>
      %dma_start3A_831 = tpu.memref_squeeze %dma_start3A_830 : memref<1x128x128xf32, #tpu.memory_space<vmem>> -> memref<128x128xf32, #tpu.memory_space<vmem>>
      %dma_start3A_832 = arith.constant 0 : i32
      %dma_start3A_833 = tpu.memref_slice %arg5[%add3A_825, %dma_start3A_832] : memref<50x128xi32, #tpu.memory_space<vmem>> -> memref<1x128xi32, #tpu.memory_space<vmem>>
      %dma_start3A_834 = tpu.memref_squeeze %dma_start3A_833 : memref<1x128xi32, #tpu.memory_space<vmem>> -> memref<128xi32, #tpu.memory_space<vmem>>
      %dma_start3A_835 = arith.constant 0 : i32
      %dma_start3A_836 = arith.constant 0 : i32
      %dma_start3A_837 = tpu.memref_slice %arg3[%dma_start3A_835, %dma_start3A_836] : memref<100000x128xf32, #tpu.memory_space<hbm>> -> memref<100000x128xf32, #tpu.memory_space<hbm>>
      %dma_start3A_838 = tpu.memref_slice %arg7[%dma_start3A_827] : memref<5x!tpu.dma_semaphore, #tpu.memory_space<semaphore_mem>> -> memref<1x!tpu.dma_semaphore, #tpu.memory_space<semaphore_mem>>
      %dma_start3A_839 = tpu.memref_squeeze %dma_start3A_838 : memref<1x!tpu.dma_semaphore, #tpu.memory_space<semaphore_mem>> -> memref<!tpu.dma_semaphore, #tpu.memory_space<semaphore_mem>>
      tpu.enqueue_indirect_dma source(%dma_start3A_837 : memref<100000x128xf32, #tpu.memory_space<hbm>>) target(%dma_start3A_831 : memref<128x128xf32, #tpu.memory_space<vmem>>) offsets(%dma_start3A_834 : memref<128xi32, #tpu.memory_space<vmem>>) semaphore(%dma_start3A_839 : memref<!tpu.dma_semaphore, #tpu.memory_space<semaphore_mem>>)
    }
    %scan3A_80 = arith.constant 9 : i32
    %dma_wait3A = arith.constant 45 : i32
    %dma_wait3A_81 = arith.constant 0 : i32
    %dma_wait3A_82 = arith.constant 0 : i32
    %dma_wait3A_83 = arith.constant 0 : i32
    %dma_wait3A_84 = arith.constant 0 : i32
    %dma_wait3A_85 = tpu.memref_slice %arg6[%dma_wait3A_81, %dma_wait3A_83, %dma_wait3A_84] : memref<5x128x128xf32, #tpu.memory_space<vmem>> -> memref<1x128x128xf32, #tpu.memory_space<vmem>>
    %dma_wait3A_86 = tpu.memref_squeeze %dma_wait3A_85 : memref<1x128x128xf32, #tpu.memory_space<vmem>> -> memref<128x128xf32, #tpu.memory_space<vmem>>
    %dma_wait3A_87 = arith.constant 0 : i32
    %dma_wait3A_88 = tpu.memref_slice %arg5[%dma_wait3A, %dma_wait3A_87] : memref<50x128xi32, #tpu.memory_space<vmem>> -> memref<1x128xi32, #tpu.memory_space<vmem>>
    %dma_wait3A_89 = tpu.memref_squeeze %dma_wait3A_88 : memref<1x128xi32, #tpu.memory_space<vmem>> -> memref<128xi32, #tpu.memory_space<vmem>>
    %dma_wait3A_90 = arith.constant 0 : i32
    %dma_wait3A_91 = arith.constant 0 : i32
    %dma_wait3A_92 = tpu.memref_slice %arg3[%dma_wait3A_90, %dma_wait3A_91] : memref<100000x128xf32, #tpu.memory_space<hbm>> -> memref<100000x128xf32, #tpu.memory_space<hbm>>
    %dma_wait3A_93 = tpu.memref_slice %arg7[%dma_wait3A_82] : memref<5x!tpu.dma_semaphore, #tpu.memory_space<semaphore_mem>> -> memref<1x!tpu.dma_semaphore, #tpu.memory_space<semaphore_mem>>
    %dma_wait3A_94 = tpu.memref_squeeze %dma_wait3A_93 : memref<1x!tpu.dma_semaphore, #tpu.memory_space<semaphore_mem>> -> memref<!tpu.dma_semaphore, #tpu.memory_space<semaphore_mem>>
    tpu.wait_indirect_dma semaphore(%dma_wait3A_94 : memref<!tpu.dma_semaphore, #tpu.memory_space<semaphore_mem>>) src(%dma_wait3A_92 : memref<100000x128xf32, #tpu.memory_space<hbm>>) dst(%dma_wait3A_86 : memref<128x128xf32, #tpu.memory_space<vmem>>)
    %dma_start3A_95 = arith.constant 0 : i32
    %dma_start3A_96 = arith.constant 45 : i32
    %dma_start3A_97 = arith.constant 0 : i32
    %dma_start3A_98 = arith.constant 0 : i32
    %dma_start3A_99 = arith.constant 0 : i32
    %dma_start3A_100 = tpu.memref_slice %arg6[%dma_start3A_95, %dma_start3A_98, %dma_start3A_99] : memref<5x128x128xf32, #tpu.memory_space<vmem>> -> memref<1x128x128xf32, #tpu.memory_space<vmem>>
    %dma_start3A_101 = tpu.memref_squeeze %dma_start3A_100 : memref<1x128x128xf32, #tpu.memory_space<vmem>> -> memref<128x128xf32, #tpu.memory_space<vmem>>
    %dma_start3A_102 = arith.constant 0 : i32
    %dma_start3A_103 = arith.constant 0 : i32
    %dma_start3A_104 = tpu.memref_slice %arg4[%dma_start3A_96, %dma_start3A_102, %dma_start3A_103] : memref<50x4096x128xf32, #tpu.memory_space<hbm>> -> memref<1x4096x128xf32, #tpu.memory_space<hbm>>
    %dma_start3A_105 = tpu.memref_squeeze %dma_start3A_104 : memref<1x4096x128xf32, #tpu.memory_space<hbm>> -> memref<4096x128xf32, #tpu.memory_space<hbm>>
    %dma_start3A_106 = arith.constant 0 : i32
    %dma_start3A_107 = tpu.memref_slice %dma_start3A_105[%mul3A_2, %dma_start3A_106] : memref<4096x128xf32, #tpu.memory_space<hbm>> -> memref<128x128xf32, #tpu.memory_space<hbm>>
    %dma_start3A_108 = tpu.memref_slice %arg8[%dma_start3A_97] : memref<5x!tpu.dma_semaphore, #tpu.memory_space<semaphore_mem>> -> memref<1x!tpu.dma_semaphore, #tpu.memory_space<semaphore_mem>>
    %dma_start3A_109 = tpu.memref_squeeze %dma_start3A_108 : memref<1x!tpu.dma_semaphore, #tpu.memory_space<semaphore_mem>> -> memref<!tpu.dma_semaphore, #tpu.memory_space<semaphore_mem>>
    %dma_start3A_110 = arith.constant 0 : i32
    %dma_start3A_111 = arith.constant 0 : i32
    %dma_start3A_112 = tpu.memref_slice %arg4[%dma_start3A_96, %dma_start3A_110, %dma_start3A_111] : memref<50x4096x128xf32, #tpu.memory_space<hbm>> -> memref<1x4096x128xf32, #tpu.memory_space<hbm>>
    %dma_start3A_113 = tpu.memref_squeeze %dma_start3A_112 : memref<1x4096x128xf32, #tpu.memory_space<hbm>> -> memref<4096x128xf32, #tpu.memory_space<hbm>>
    %dma_start3A_114 = arith.constant 0 : i32
    %dma_start3A_115 = tpu.memref_slice %dma_start3A_113[%mul3A_2, %dma_start3A_114] : memref<4096x128xf32, #tpu.memory_space<hbm>> -> memref<128x128xf32, #tpu.memory_space<hbm>>
    %dma_start3A_116 = arith.constant 0 : i32
    %dma_start3A_117 = arith.constant 0 : i32
    %dma_start3A_118 = tpu.memref_slice %arg6[%dma_start3A_95, %dma_start3A_116, %dma_start3A_117] : memref<5x128x128xf32, #tpu.memory_space<vmem>> -> memref<1x128x128xf32, #tpu.memory_space<vmem>>
    %dma_start3A_119 = tpu.memref_squeeze %dma_start3A_118 : memref<1x128x128xf32, #tpu.memory_space<vmem>> -> memref<128x128xf32, #tpu.memory_space<vmem>>
    tpu.enqueue_dma source(%dma_start3A_119 : memref<128x128xf32, #tpu.memory_space<vmem>>) target(%dma_start3A_115 : memref<128x128xf32, #tpu.memory_space<hbm>>) target_semaphore(%dma_start3A_109 : memref<!tpu.dma_semaphore, #tpu.memory_space<semaphore_mem>>)
    %dma_wait3A_120 = arith.constant 46 : i32
    %dma_wait3A_121 = arith.constant 1 : i32
    %dma_wait3A_122 = arith.constant 1 : i32
    %dma_wait3A_123 = arith.constant 0 : i32
    %dma_wait3A_124 = arith.constant 0 : i32
    %dma_wait3A_125 = tpu.memref_slice %arg6[%dma_wait3A_121, %dma_wait3A_123, %dma_wait3A_124] : memref<5x128x128xf32, #tpu.memory_space<vmem>> -> memref<1x128x128xf32, #tpu.memory_space<vmem>>
    %dma_wait3A_126 = tpu.memref_squeeze %dma_wait3A_125 : memref<1x128x128xf32, #tpu.memory_space<vmem>> -> memref<128x128xf32, #tpu.memory_space<vmem>>
    %dma_wait3A_127 = arith.constant 0 : i32
    %dma_wait3A_128 = tpu.memref_slice %arg5[%dma_wait3A_120, %dma_wait3A_127] : memref<50x128xi32, #tpu.memory_space<vmem>> -> memref<1x128xi32, #tpu.memory_space<vmem>>
    %dma_wait3A_129 = tpu.memref_squeeze %dma_wait3A_128 : memref<1x128xi32, #tpu.memory_space<vmem>> -> memref<128xi32, #tpu.memory_space<vmem>>
    %dma_wait3A_130 = arith.constant 0 : i32
    %dma_wait3A_131 = arith.constant 0 : i32
    %dma_wait3A_132 = tpu.memref_slice %arg3[%dma_wait3A_130, %dma_wait3A_131] : memref<100000x128xf32, #tpu.memory_space<hbm>> -> memref<100000x128xf32, #tpu.memory_space<hbm>>
    %dma_wait3A_133 = tpu.memref_slice %arg7[%dma_wait3A_122] : memref<5x!tpu.dma_semaphore, #tpu.memory_space<semaphore_mem>> -> memref<1x!tpu.dma_semaphore, #tpu.memory_space<semaphore_mem>>
    %dma_wait3A_134 = tpu.memref_squeeze %dma_wait3A_133 : memref<1x!tpu.dma_semaphore, #tpu.memory_space<semaphore_mem>> -> memref<!tpu.dma_semaphore, #tpu.memory_space<semaphore_mem>>
    tpu.wait_indirect_dma semaphore(%dma_wait3A_134 : memref<!tpu.dma_semaphore, #tpu.memory_space<semaphore_mem>>) src(%dma_wait3A_132 : memref<100000x128xf32, #tpu.memory_space<hbm>>) dst(%dma_wait3A_126 : memref<128x128xf32, #tpu.memory_space<vmem>>)
    %dma_start3A_135 = arith.constant 1 : i32
    %dma_start3A_136 = arith.constant 46 : i32
    %dma_start3A_137 = arith.constant 1 : i32
    %dma_start3A_138 = arith.constant 0 : i32
    %dma_start3A_139 = arith.constant 0 : i32
    %dma_start3A_140 = tpu.memref_slice %arg6[%dma_start3A_135, %dma_start3A_138, %dma_start3A_139] : memref<5x128x128xf32, #tpu.memory_space<vmem>> -> memref<1x128x128xf32, #tpu.memory_space<vmem>>
    %dma_start3A_141 = tpu.memref_squeeze %dma_start3A_140 : memref<1x128x128xf32, #tpu.memory_space<vmem>> -> memref<128x128xf32, #tpu.memory_space<vmem>>
    %dma_start3A_142 = arith.constant 0 : i32
    %dma_start3A_143 = arith.constant 0 : i32
    %dma_start3A_144 = tpu.memref_slice %arg4[%dma_start3A_136, %dma_start3A_142, %dma_start3A_143] : memref<50x4096x128xf32, #tpu.memory_space<hbm>> -> memref<1x4096x128xf32, #tpu.memory_space<hbm>>
    %dma_start3A_145 = tpu.memref_squeeze %dma_start3A_144 : memref<1x4096x128xf32, #tpu.memory_space<hbm>> -> memref<4096x128xf32, #tpu.memory_space<hbm>>
    %dma_start3A_146 = arith.constant 0 : i32
    %dma_start3A_147 = tpu.memref_slice %dma_start3A_145[%mul3A_2, %dma_start3A_146] : memref<4096x128xf32, #tpu.memory_space<hbm>> -> memref<128x128xf32, #tpu.memory_space<hbm>>
    %dma_start3A_148 = tpu.memref_slice %arg8[%dma_start3A_137] : memref<5x!tpu.dma_semaphore, #tpu.memory_space<semaphore_mem>> -> memref<1x!tpu.dma_semaphore, #tpu.memory_space<semaphore_mem>>
    %dma_start3A_149 = tpu.memref_squeeze %dma_start3A_148 : memref<1x!tpu.dma_semaphore, #tpu.memory_space<semaphore_mem>> -> memref<!tpu.dma_semaphore, #tpu.memory_space<semaphore_mem>>
    %dma_start3A_150 = arith.constant 0 : i32
    %dma_start3A_151 = arith.constant 0 : i32
    %dma_start3A_152 = tpu.memref_slice %arg4[%dma_start3A_136, %dma_start3A_150, %dma_start3A_151] : memref<50x4096x128xf32, #tpu.memory_space<hbm>> -> memref<1x4096x128xf32, #tpu.memory_space<hbm>>
    %dma_start3A_153 = tpu.memref_squeeze %dma_start3A_152 : memref<1x4096x128xf32, #tpu.memory_space<hbm>> -> memref<4096x128xf32, #tpu.memory_space<hbm>>
    %dma_start3A_154 = arith.constant 0 : i32
    %dma_start3A_155 = tpu.memref_slice %dma_start3A_153[%mul3A_2, %dma_start3A_154] : memref<4096x128xf32, #tpu.memory_space<hbm>> -> memref<128x128xf32, #tpu.memory_space<hbm>>
    %dma_start3A_156 = arith.constant 0 : i32
    %dma_start3A_157 = arith.constant 0 : i32
    %dma_start3A_158 = tpu.memref_slice %arg6[%dma_start3A_135, %dma_start3A_156, %dma_start3A_157] : memref<5x128x128xf32, #tpu.memory_space<vmem>> -> memref<1x128x128xf32, #tpu.memory_space<vmem>>
    %dma_start3A_159 = tpu.memref_squeeze %dma_start3A_158 : memref<1x128x128xf32, #tpu.memory_space<vmem>> -> memref<128x128xf32, #tpu.memory_space<vmem>>
    tpu.enqueue_dma source(%dma_start3A_159 : memref<128x128xf32, #tpu.memory_space<vmem>>) target(%dma_start3A_155 : memref<128x128xf32, #tpu.memory_space<hbm>>) target_semaphore(%dma_start3A_149 : memref<!tpu.dma_semaphore, #tpu.memory_space<semaphore_mem>>)
    %dma_wait3A_160 = arith.constant 47 : i32
    %dma_wait3A_161 = arith.constant 2 : i32
    %dma_wait3A_162 = arith.constant 2 : i32
    %dma_wait3A_163 = arith.constant 0 : i32
    %dma_wait3A_164 = arith.constant 0 : i32
    %dma_wait3A_165 = tpu.memref_slice %arg6[%dma_wait3A_161, %dma_wait3A_163, %dma_wait3A_164] : memref<5x128x128xf32, #tpu.memory_space<vmem>> -> memref<1x128x128xf32, #tpu.memory_space<vmem>>
    %dma_wait3A_166 = tpu.memref_squeeze %dma_wait3A_165 : memref<1x128x128xf32, #tpu.memory_space<vmem>> -> memref<128x128xf32, #tpu.memory_space<vmem>>
    %dma_wait3A_167 = arith.constant 0 : i32
    %dma_wait3A_168 = tpu.memref_slice %arg5[%dma_wait3A_160, %dma_wait3A_167] : memref<50x128xi32, #tpu.memory_space<vmem>> -> memref<1x128xi32, #tpu.memory_space<vmem>>
    %dma_wait3A_169 = tpu.memref_squeeze %dma_wait3A_168 : memref<1x128xi32, #tpu.memory_space<vmem>> -> memref<128xi32, #tpu.memory_space<vmem>>
    %dma_wait3A_170 = arith.constant 0 : i32
    %dma_wait3A_171 = arith.constant 0 : i32
    %dma_wait3A_172 = tpu.memref_slice %arg3[%dma_wait3A_170, %dma_wait3A_171] : memref<100000x128xf32, #tpu.memory_space<hbm>> -> memref<100000x128xf32, #tpu.memory_space<hbm>>
    %dma_wait3A_173 = tpu.memref_slice %arg7[%dma_wait3A_162] : memref<5x!tpu.dma_semaphore, #tpu.memory_space<semaphore_mem>> -> memref<1x!tpu.dma_semaphore, #tpu.memory_space<semaphore_mem>>
    %dma_wait3A_174 = tpu.memref_squeeze %dma_wait3A_173 : memref<1x!tpu.dma_semaphore, #tpu.memory_space<semaphore_mem>> -> memref<!tpu.dma_semaphore, #tpu.memory_space<semaphore_mem>>
    tpu.wait_indirect_dma semaphore(%dma_wait3A_174 : memref<!tpu.dma_semaphore, #tpu.memory_space<semaphore_mem>>) src(%dma_wait3A_172 : memref<100000x128xf32, #tpu.memory_space<hbm>>) dst(%dma_wait3A_166 : memref<128x128xf32, #tpu.memory_space<vmem>>)
    %dma_start3A_175 = arith.constant 2 : i32
    %dma_start3A_176 = arith.constant 47 : i32
    %dma_start3A_177 = arith.constant 2 : i32
    %dma_start3A_178 = arith.constant 0 : i32
    %dma_start3A_179 = arith.constant 0 : i32
    %dma_start3A_180 = tpu.memref_slice %arg6[%dma_start3A_175, %dma_start3A_178, %dma_start3A_179] : memref<5x128x128xf32, #tpu.memory_space<vmem>> -> memref<1x128x128xf32, #tpu.memory_space<vmem>>
    %dma_start3A_181 = tpu.memref_squeeze %dma_start3A_180 : memref<1x128x128xf32, #tpu.memory_space<vmem>> -> memref<128x128xf32, #tpu.memory_space<vmem>>
    %dma_start3A_182 = arith.constant 0 : i32
    %dma_start3A_183 = arith.constant 0 : i32
    %dma_start3A_184 = tpu.memref_slice %arg4[%dma_start3A_176, %dma_start3A_182, %dma_start3A_183] : memref<50x4096x128xf32, #tpu.memory_space<hbm>> -> memref<1x4096x128xf32, #tpu.memory_space<hbm>>
    %dma_start3A_185 = tpu.memref_squeeze %dma_start3A_184 : memref<1x4096x128xf32, #tpu.memory_space<hbm>> -> memref<4096x128xf32, #tpu.memory_space<hbm>>
    %dma_start3A_186 = arith.constant 0 : i32
    %dma_start3A_187 = tpu.memref_slice %dma_start3A_185[%mul3A_2, %dma_start3A_186] : memref<4096x128xf32, #tpu.memory_space<hbm>> -> memref<128x128xf32, #tpu.memory_space<hbm>>
    %dma_start3A_188 = tpu.memref_slice %arg8[%dma_start3A_177] : memref<5x!tpu.dma_semaphore, #tpu.memory_space<semaphore_mem>> -> memref<1x!tpu.dma_semaphore, #tpu.memory_space<semaphore_mem>>
    %dma_start3A_189 = tpu.memref_squeeze %dma_start3A_188 : memref<1x!tpu.dma_semaphore, #tpu.memory_space<semaphore_mem>> -> memref<!tpu.dma_semaphore, #tpu.memory_space<semaphore_mem>>
    %dma_start3A_190 = arith.constant 0 : i32
    %dma_start3A_191 = arith.constant 0 : i32
    %dma_start3A_192 = tpu.memref_slice %arg4[%dma_start3A_176, %dma_start3A_190, %dma_start3A_191] : memref<50x4096x128xf32, #tpu.memory_space<hbm>> -> memref<1x4096x128xf32, #tpu.memory_space<hbm>>
    %dma_start3A_193 = tpu.memref_squeeze %dma_start3A_192 : memref<1x4096x128xf32, #tpu.memory_space<hbm>> -> memref<4096x128xf32, #tpu.memory_space<hbm>>
    %dma_start3A_194 = arith.constant 0 : i32
    %dma_start3A_195 = tpu.memref_slice %dma_start3A_193[%mul3A_2, %dma_start3A_194] : memref<4096x128xf32, #tpu.memory_space<hbm>> -> memref<128x128xf32, #tpu.memory_space<hbm>>
    %dma_start3A_196 = arith.constant 0 : i32
    %dma_start3A_197 = arith.constant 0 : i32
    %dma_start3A_198 = tpu.memref_slice %arg6[%dma_start3A_175, %dma_start3A_196, %dma_start3A_197] : memref<5x128x128xf32, #tpu.memory_space<vmem>> -> memref<1x128x128xf32, #tpu.memory_space<vmem>>
    %dma_start3A_199 = tpu.memref_squeeze %dma_start3A_198 : memref<1x128x128xf32, #tpu.memory_space<vmem>> -> memref<128x128xf32, #tpu.memory_space<vmem>>
    tpu.enqueue_dma source(%dma_start3A_199 : memref<128x128xf32, #tpu.memory_space<vmem>>) target(%dma_start3A_195 : memref<128x128xf32, #tpu.memory_space<hbm>>) target_semaphore(%dma_start3A_189 : memref<!tpu.dma_semaphore, #tpu.memory_space<semaphore_mem>>)
    %dma_wait3A_200 = arith.constant 48 : i32
    %dma_wait3A_201 = arith.constant 3 : i32
    %dma_wait3A_202 = arith.constant 3 : i32
    %dma_wait3A_203 = arith.constant 0 : i32
    %dma_wait3A_204 = arith.constant 0 : i32
    %dma_wait3A_205 = tpu.memref_slice %arg6[%dma_wait3A_201, %dma_wait3A_203, %dma_wait3A_204] : memref<5x128x128xf32, #tpu.memory_space<vmem>> -> memref<1x128x128xf32, #tpu.memory_space<vmem>>
    %dma_wait3A_206 = tpu.memref_squeeze %dma_wait3A_205 : memref<1x128x128xf32, #tpu.memory_space<vmem>> -> memref<128x128xf32, #tpu.memory_space<vmem>>
    %dma_wait3A_207 = arith.constant 0 : i32
    %dma_wait3A_208 = tpu.memref_slice %arg5[%dma_wait3A_200, %dma_wait3A_207] : memref<50x128xi32, #tpu.memory_space<vmem>> -> memref<1x128xi32, #tpu.memory_space<vmem>>
    %dma_wait3A_209 = tpu.memref_squeeze %dma_wait3A_208 : memref<1x128xi32, #tpu.memory_space<vmem>> -> memref<128xi32, #tpu.memory_space<vmem>>
    %dma_wait3A_210 = arith.constant 0 : i32
    %dma_wait3A_211 = arith.constant 0 : i32
    %dma_wait3A_212 = tpu.memref_slice %arg3[%dma_wait3A_210, %dma_wait3A_211] : memref<100000x128xf32, #tpu.memory_space<hbm>> -> memref<100000x128xf32, #tpu.memory_space<hbm>>
    %dma_wait3A_213 = tpu.memref_slice %arg7[%dma_wait3A_202] : memref<5x!tpu.dma_semaphore, #tpu.memory_space<semaphore_mem>> -> memref<1x!tpu.dma_semaphore, #tpu.memory_space<semaphore_mem>>
    %dma_wait3A_214 = tpu.memref_squeeze %dma_wait3A_213 : memref<1x!tpu.dma_semaphore, #tpu.memory_space<semaphore_mem>> -> memref<!tpu.dma_semaphore, #tpu.memory_space<semaphore_mem>>
    tpu.wait_indirect_dma semaphore(%dma_wait3A_214 : memref<!tpu.dma_semaphore, #tpu.memory_space<semaphore_mem>>) src(%dma_wait3A_212 : memref<100000x128xf32, #tpu.memory_space<hbm>>) dst(%dma_wait3A_206 : memref<128x128xf32, #tpu.memory_space<vmem>>)
    %dma_start3A_215 = arith.constant 3 : i32
    %dma_start3A_216 = arith.constant 48 : i32
    %dma_start3A_217 = arith.constant 3 : i32
    %dma_start3A_218 = arith.constant 0 : i32
    %dma_start3A_219 = arith.constant 0 : i32
    %dma_start3A_220 = tpu.memref_slice %arg6[%dma_start3A_215, %dma_start3A_218, %dma_start3A_219] : memref<5x128x128xf32, #tpu.memory_space<vmem>> -> memref<1x128x128xf32, #tpu.memory_space<vmem>>
    %dma_start3A_221 = tpu.memref_squeeze %dma_start3A_220 : memref<1x128x128xf32, #tpu.memory_space<vmem>> -> memref<128x128xf32, #tpu.memory_space<vmem>>
    %dma_start3A_222 = arith.constant 0 : i32
    %dma_start3A_223 = arith.constant 0 : i32
    %dma_start3A_224 = tpu.memref_slice %arg4[%dma_start3A_216, %dma_start3A_222, %dma_start3A_223] : memref<50x4096x128xf32, #tpu.memory_space<hbm>> -> memref<1x4096x128xf32, #tpu.memory_space<hbm>>
    %dma_start3A_225 = tpu.memref_squeeze %dma_start3A_224 : memref<1x4096x128xf32, #tpu.memory_space<hbm>> -> memref<4096x128xf32, #tpu.memory_space<hbm>>
    %dma_start3A_226 = arith.constant 0 : i32
    %dma_start3A_227 = tpu.memref_slice %dma_start3A_225[%mul3A_2, %dma_start3A_226] : memref<4096x128xf32, #tpu.memory_space<hbm>> -> memref<128x128xf32, #tpu.memory_space<hbm>>
    %dma_start3A_228 = tpu.memref_slice %arg8[%dma_start3A_217] : memref<5x!tpu.dma_semaphore, #tpu.memory_space<semaphore_mem>> -> memref<1x!tpu.dma_semaphore, #tpu.memory_space<semaphore_mem>>
    %dma_start3A_229 = tpu.memref_squeeze %dma_start3A_228 : memref<1x!tpu.dma_semaphore, #tpu.memory_space<semaphore_mem>> -> memref<!tpu.dma_semaphore, #tpu.memory_space<semaphore_mem>>
    %dma_start3A_230 = arith.constant 0 : i32
    %dma_start3A_231 = arith.constant 0 : i32
    %dma_start3A_232 = tpu.memref_slice %arg4[%dma_start3A_216, %dma_start3A_230, %dma_start3A_231] : memref<50x4096x128xf32, #tpu.memory_space<hbm>> -> memref<1x4096x128xf32, #tpu.memory_space<hbm>>
    %dma_start3A_233 = tpu.memref_squeeze %dma_start3A_232 : memref<1x4096x128xf32, #tpu.memory_space<hbm>> -> memref<4096x128xf32, #tpu.memory_space<hbm>>
    %dma_start3A_234 = arith.constant 0 : i32
    %dma_start3A_235 = tpu.memref_slice %dma_start3A_233[%mul3A_2, %dma_start3A_234] : memref<4096x128xf32, #tpu.memory_space<hbm>> -> memref<128x128xf32, #tpu.memory_space<hbm>>
    %dma_start3A_236 = arith.constant 0 : i32
    %dma_start3A_237 = arith.constant 0 : i32
    %dma_start3A_238 = tpu.memref_slice %arg6[%dma_start3A_215, %dma_start3A_236, %dma_start3A_237] : memref<5x128x128xf32, #tpu.memory_space<vmem>> -> memref<1x128x128xf32, #tpu.memory_space<vmem>>
    %dma_start3A_239 = tpu.memref_squeeze %dma_start3A_238 : memref<1x128x128xf32, #tpu.memory_space<vmem>> -> memref<128x128xf32, #tpu.memory_space<vmem>>
    tpu.enqueue_dma source(%dma_start3A_239 : memref<128x128xf32, #tpu.memory_space<vmem>>) target(%dma_start3A_235 : memref<128x128xf32, #tpu.memory_space<hbm>>) target_semaphore(%dma_start3A_229 : memref<!tpu.dma_semaphore, #tpu.memory_space<semaphore_mem>>)
    %dma_wait3A_240 = arith.constant 49 : i32
    %dma_wait3A_241 = arith.constant 4 : i32
    %dma_wait3A_242 = arith.constant 4 : i32
    %dma_wait3A_243 = arith.constant 0 : i32
    %dma_wait3A_244 = arith.constant 0 : i32
    %dma_wait3A_245 = tpu.memref_slice %arg6[%dma_wait3A_241, %dma_wait3A_243, %dma_wait3A_244] : memref<5x128x128xf32, #tpu.memory_space<vmem>> -> memref<1x128x128xf32, #tpu.memory_space<vmem>>
    %dma_wait3A_246 = tpu.memref_squeeze %dma_wait3A_245 : memref<1x128x128xf32, #tpu.memory_space<vmem>> -> memref<128x128xf32, #tpu.memory_space<vmem>>
    %dma_wait3A_247 = arith.constant 0 : i32
    %dma_wait3A_248 = tpu.memref_slice %arg5[%dma_wait3A_240, %dma_wait3A_247] : memref<50x128xi32, #tpu.memory_space<vmem>> -> memref<1x128xi32, #tpu.memory_space<vmem>>
    %dma_wait3A_249 = tpu.memref_squeeze %dma_wait3A_248 : memref<1x128xi32, #tpu.memory_space<vmem>> -> memref<128xi32, #tpu.memory_space<vmem>>
    %dma_wait3A_250 = arith.constant 0 : i32
    %dma_wait3A_251 = arith.constant 0 : i32
    %dma_wait3A_252 = tpu.memref_slice %arg3[%dma_wait3A_250, %dma_wait3A_251] : memref<100000x128xf32, #tpu.memory_space<hbm>> -> memref<100000x128xf32, #tpu.memory_space<hbm>>
    %dma_wait3A_253 = tpu.memref_slice %arg7[%dma_wait3A_242] : memref<5x!tpu.dma_semaphore, #tpu.memory_space<semaphore_mem>> -> memref<1x!tpu.dma_semaphore, #tpu.memory_space<semaphore_mem>>
    %dma_wait3A_254 = tpu.memref_squeeze %dma_wait3A_253 : memref<1x!tpu.dma_semaphore, #tpu.memory_space<semaphore_mem>> -> memref<!tpu.dma_semaphore, #tpu.memory_space<semaphore_mem>>
    tpu.wait_indirect_dma semaphore(%dma_wait3A_254 : memref<!tpu.dma_semaphore, #tpu.memory_space<semaphore_mem>>) src(%dma_wait3A_252 : memref<100000x128xf32, #tpu.memory_space<hbm>>) dst(%dma_wait3A_246 : memref<128x128xf32, #tpu.memory_space<vmem>>)
    %dma_start3A_255 = arith.constant 4 : i32
    %dma_start3A_256 = arith.constant 49 : i32
    %dma_start3A_257 = arith.constant 4 : i32
    %dma_start3A_258 = arith.constant 0 : i32
    %dma_start3A_259 = arith.constant 0 : i32
    %dma_start3A_260 = tpu.memref_slice %arg6[%dma_start3A_255, %dma_start3A_258, %dma_start3A_259] : memref<5x128x128xf32, #tpu.memory_space<vmem>> -> memref<1x128x128xf32, #tpu.memory_space<vmem>>
    %dma_start3A_261 = tpu.memref_squeeze %dma_start3A_260 : memref<1x128x128xf32, #tpu.memory_space<vmem>> -> memref<128x128xf32, #tpu.memory_space<vmem>>
    %dma_start3A_262 = arith.constant 0 : i32
    %dma_start3A_263 = arith.constant 0 : i32
    %dma_start3A_264 = tpu.memref_slice %arg4[%dma_start3A_256, %dma_start3A_262, %dma_start3A_263] : memref<50x4096x128xf32, #tpu.memory_space<hbm>> -> memref<1x4096x128xf32, #tpu.memory_space<hbm>>
    %dma_start3A_265 = tpu.memref_squeeze %dma_start3A_264 : memref<1x4096x128xf32, #tpu.memory_space<hbm>> -> memref<4096x128xf32, #tpu.memory_space<hbm>>
    %dma_start3A_266 = arith.constant 0 : i32
    %dma_start3A_267 = tpu.memref_slice %dma_start3A_265[%mul3A_2, %dma_start3A_266] : memref<4096x128xf32, #tpu.memory_space<hbm>> -> memref<128x128xf32, #tpu.memory_space<hbm>>
    %dma_start3A_268 = tpu.memref_slice %arg8[%dma_start3A_257] : memref<5x!tpu.dma_semaphore, #tpu.memory_space<semaphore_mem>> -> memref<1x!tpu.dma_semaphore, #tpu.memory_space<semaphore_mem>>
    %dma_start3A_269 = tpu.memref_squeeze %dma_start3A_268 : memref<1x!tpu.dma_semaphore, #tpu.memory_space<semaphore_mem>> -> memref<!tpu.dma_semaphore, #tpu.memory_space<semaphore_mem>>
    %dma_start3A_270 = arith.constant 0 : i32
    %dma_start3A_271 = arith.constant 0 : i32
    %dma_start3A_272 = tpu.memref_slice %arg4[%dma_start3A_256, %dma_start3A_270, %dma_start3A_271] : memref<50x4096x128xf32, #tpu.memory_space<hbm>> -> memref<1x4096x128xf32, #tpu.memory_space<hbm>>
    %dma_start3A_273 = tpu.memref_squeeze %dma_start3A_272 : memref<1x4096x128xf32, #tpu.memory_space<hbm>> -> memref<4096x128xf32, #tpu.memory_space<hbm>>
    %dma_start3A_274 = arith.constant 0 : i32
    %dma_start3A_275 = tpu.memref_slice %dma_start3A_273[%mul3A_2, %dma_start3A_274] : memref<4096x128xf32, #tpu.memory_space<hbm>> -> memref<128x128xf32, #tpu.memory_space<hbm>>
    %dma_start3A_276 = arith.constant 0 : i32
    %dma_start3A_277 = arith.constant 0 : i32
    %dma_start3A_278 = tpu.memref_slice %arg6[%dma_start3A_255, %dma_start3A_276, %dma_start3A_277] : memref<5x128x128xf32, #tpu.memory_space<vmem>> -> memref<1x128x128xf32, #tpu.memory_space<vmem>>
    %dma_start3A_279 = tpu.memref_squeeze %dma_start3A_278 : memref<1x128x128xf32, #tpu.memory_space<vmem>> -> memref<128x128xf32, #tpu.memory_space<vmem>>
    tpu.enqueue_dma source(%dma_start3A_279 : memref<128x128xf32, #tpu.memory_space<vmem>>) target(%dma_start3A_275 : memref<128x128xf32, #tpu.memory_space<hbm>>) target_semaphore(%dma_start3A_269 : memref<!tpu.dma_semaphore, #tpu.memory_space<semaphore_mem>>)
    %dma_wait3A_280 = arith.constant 0 : i32
    %dma_wait3A_281 = arith.constant 45 : i32
    %dma_wait3A_282 = arith.constant 0 : i32
    %dma_wait3A_283 = arith.constant 0 : i32
    %dma_wait3A_284 = arith.constant 0 : i32
    %dma_wait3A_285 = tpu.memref_slice %arg6[%dma_wait3A_280, %dma_wait3A_283, %dma_wait3A_284] : memref<5x128x128xf32, #tpu.memory_space<vmem>> -> memref<1x128x128xf32, #tpu.memory_space<vmem>>
    %dma_wait3A_286 = tpu.memref_squeeze %dma_wait3A_285 : memref<1x128x128xf32, #tpu.memory_space<vmem>> -> memref<128x128xf32, #tpu.memory_space<vmem>>
    %dma_wait3A_287 = arith.constant 0 : i32
    %dma_wait3A_288 = arith.constant 0 : i32
    %dma_wait3A_289 = tpu.memref_slice %arg4[%dma_wait3A_281, %dma_wait3A_287, %dma_wait3A_288] : memref<50x4096x128xf32, #tpu.memory_space<hbm>> -> memref<1x4096x128xf32, #tpu.memory_space<hbm>>
    %dma_wait3A_290 = tpu.memref_squeeze %dma_wait3A_289 : memref<1x4096x128xf32, #tpu.memory_space<hbm>> -> memref<4096x128xf32, #tpu.memory_space<hbm>>
    %dma_wait3A_291 = arith.constant 0 : i32
    %dma_wait3A_292 = tpu.memref_slice %dma_wait3A_290[%mul3A_2, %dma_wait3A_291] : memref<4096x128xf32, #tpu.memory_space<hbm>> -> memref<128x128xf32, #tpu.memory_space<hbm>>
    %dma_wait3A_293 = tpu.memref_slice %arg8[%dma_wait3A_282] : memref<5x!tpu.dma_semaphore, #tpu.memory_space<semaphore_mem>> -> memref<1x!tpu.dma_semaphore, #tpu.memory_space<semaphore_mem>>
    %dma_wait3A_294 = tpu.memref_squeeze %dma_wait3A_293 : memref<1x!tpu.dma_semaphore, #tpu.memory_space<semaphore_mem>> -> memref<!tpu.dma_semaphore, #tpu.memory_space<semaphore_mem>>
    %dma_wait3A_295 = arith.constant 0 : i32
    %dma_wait3A_296 = arith.constant 0 : i32
    %dma_wait3A_297 = tpu.memref_slice %arg4[%dma_wait3A_281, %dma_wait3A_295, %dma_wait3A_296] : memref<50x4096x128xf32, #tpu.memory_space<hbm>> -> memref<1x4096x128xf32, #tpu.memory_space<hbm>>
    %dma_wait3A_298 = tpu.memref_squeeze %dma_wait3A_297 : memref<1x4096x128xf32, #tpu.memory_space<hbm>> -> memref<4096x128xf32, #tpu.memory_space<hbm>>
    %dma_wait3A_299 = arith.constant 0 : i32
    %dma_wait3A_300 = tpu.memref_slice %dma_wait3A_298[%mul3A_2, %dma_wait3A_299] : memref<4096x128xf32, #tpu.memory_space<hbm>> -> memref<128x128xf32, #tpu.memory_space<hbm>>
    %dma_wait3A_301 = arith.constant 0 : i32
    %dma_wait3A_302 = arith.constant 0 : i32
    %dma_wait3A_303 = tpu.memref_slice %arg6[%dma_wait3A_280, %dma_wait3A_301, %dma_wait3A_302] : memref<5x128x128xf32, #tpu.memory_space<vmem>> -> memref<1x128x128xf32, #tpu.memory_space<vmem>>
    %dma_wait3A_304 = tpu.memref_squeeze %dma_wait3A_303 : memref<1x128x128xf32, #tpu.memory_space<vmem>> -> memref<128x128xf32, #tpu.memory_space<vmem>>
    tpu.wait_dma2 semaphore(%dma_wait3A_294 : memref<!tpu.dma_semaphore, #tpu.memory_space<semaphore_mem>>) src(%dma_wait3A_304 : memref<128x128xf32, #tpu.memory_space<vmem>>) dst(%dma_wait3A_300 : memref<128x128xf32, #tpu.memory_space<hbm>>)
    %dma_wait3A_305 = arith.constant 1 : i32
    %dma_wait3A_306 = arith.constant 46 : i32
    %dma_wait3A_307 = arith.constant 1 : i32
    %dma_wait3A_308 = arith.constant 0 : i32
    %dma_wait3A_309 = arith.constant 0 : i32
    %dma_wait3A_310 = tpu.memref_slice %arg6[%dma_wait3A_305, %dma_wait3A_308, %dma_wait3A_309] : memref<5x128x128xf32, #tpu.memory_space<vmem>> -> memref<1x128x128xf32, #tpu.memory_space<vmem>>
    %dma_wait3A_311 = tpu.memref_squeeze %dma_wait3A_310 : memref<1x128x128xf32, #tpu.memory_space<vmem>> -> memref<128x128xf32, #tpu.memory_space<vmem>>
    %dma_wait3A_312 = arith.constant 0 : i32
    %dma_wait3A_313 = arith.constant 0 : i32
    %dma_wait3A_314 = tpu.memref_slice %arg4[%dma_wait3A_306, %dma_wait3A_312, %dma_wait3A_313] : memref<50x4096x128xf32, #tpu.memory_space<hbm>> -> memref<1x4096x128xf32, #tpu.memory_space<hbm>>
    %dma_wait3A_315 = tpu.memref_squeeze %dma_wait3A_314 : memref<1x4096x128xf32, #tpu.memory_space<hbm>> -> memref<4096x128xf32, #tpu.memory_space<hbm>>
    %dma_wait3A_316 = arith.constant 0 : i32
    %dma_wait3A_317 = tpu.memref_slice %dma_wait3A_315[%mul3A_2, %dma_wait3A_316] : memref<4096x128xf32, #tpu.memory_space<hbm>> -> memref<128x128xf32, #tpu.memory_space<hbm>>
    %dma_wait3A_318 = tpu.memref_slice %arg8[%dma_wait3A_307] : memref<5x!tpu.dma_semaphore, #tpu.memory_space<semaphore_mem>> -> memref<1x!tpu.dma_semaphore, #tpu.memory_space<semaphore_mem>>
    %dma_wait3A_319 = tpu.memref_squeeze %dma_wait3A_318 : memref<1x!tpu.dma_semaphore, #tpu.memory_space<semaphore_mem>> -> memref<!tpu.dma_semaphore, #tpu.memory_space<semaphore_mem>>
    %dma_wait3A_320 = arith.constant 0 : i32
    %dma_wait3A_321 = arith.constant 0 : i32
    %dma_wait3A_322 = tpu.memref_slice %arg4[%dma_wait3A_306, %dma_wait3A_320, %dma_wait3A_321] : memref<50x4096x128xf32, #tpu.memory_space<hbm>> -> memref<1x4096x128xf32, #tpu.memory_space<hbm>>
    %dma_wait3A_323 = tpu.memref_squeeze %dma_wait3A_322 : memref<1x4096x128xf32, #tpu.memory_space<hbm>> -> memref<4096x128xf32, #tpu.memory_space<hbm>>
    %dma_wait3A_324 = arith.constant 0 : i32
    %dma_wait3A_325 = tpu.memref_slice %dma_wait3A_323[%mul3A_2, %dma_wait3A_324] : memref<4096x128xf32, #tpu.memory_space<hbm>> -> memref<128x128xf32, #tpu.memory_space<hbm>>
    %dma_wait3A_326 = arith.constant 0 : i32
    %dma_wait3A_327 = arith.constant 0 : i32
    %dma_wait3A_328 = tpu.memref_slice %arg6[%dma_wait3A_305, %dma_wait3A_326, %dma_wait3A_327] : memref<5x128x128xf32, #tpu.memory_space<vmem>> -> memref<1x128x128xf32, #tpu.memory_space<vmem>>
    %dma_wait3A_329 = tpu.memref_squeeze %dma_wait3A_328 : memref<1x128x128xf32, #tpu.memory_space<vmem>> -> memref<128x128xf32, #tpu.memory_space<vmem>>
    tpu.wait_dma2 semaphore(%dma_wait3A_319 : memref<!tpu.dma_semaphore, #tpu.memory_space<semaphore_mem>>) src(%dma_wait3A_329 : memref<128x128xf32, #tpu.memory_space<vmem>>) dst(%dma_wait3A_325 : memref<128x128xf32, #tpu.memory_space<hbm>>)
    %dma_wait3A_330 = arith.constant 2 : i32
    %dma_wait3A_331 = arith.constant 47 : i32
    %dma_wait3A_332 = arith.constant 2 : i32
    %dma_wait3A_333 = arith.constant 0 : i32
    %dma_wait3A_334 = arith.constant 0 : i32
    %dma_wait3A_335 = tpu.memref_slice %arg6[%dma_wait3A_330, %dma_wait3A_333, %dma_wait3A_334] : memref<5x128x128xf32, #tpu.memory_space<vmem>> -> memref<1x128x128xf32, #tpu.memory_space<vmem>>
    %dma_wait3A_336 = tpu.memref_squeeze %dma_wait3A_335 : memref<1x128x128xf32, #tpu.memory_space<vmem>> -> memref<128x128xf32, #tpu.memory_space<vmem>>
    %dma_wait3A_337 = arith.constant 0 : i32
    %dma_wait3A_338 = arith.constant 0 : i32
    %dma_wait3A_339 = tpu.memref_slice %arg4[%dma_wait3A_331, %dma_wait3A_337, %dma_wait3A_338] : memref<50x4096x128xf32, #tpu.memory_space<hbm>> -> memref<1x4096x128xf32, #tpu.memory_space<hbm>>
    %dma_wait3A_340 = tpu.memref_squeeze %dma_wait3A_339 : memref<1x4096x128xf32, #tpu.memory_space<hbm>> -> memref<4096x128xf32, #tpu.memory_space<hbm>>
    %dma_wait3A_341 = arith.constant 0 : i32
    %dma_wait3A_342 = tpu.memref_slice %dma_wait3A_340[%mul3A_2, %dma_wait3A_341] : memref<4096x128xf32, #tpu.memory_space<hbm>> -> memref<128x128xf32, #tpu.memory_space<hbm>>
    %dma_wait3A_343 = tpu.memref_slice %arg8[%dma_wait3A_332] : memref<5x!tpu.dma_semaphore, #tpu.memory_space<semaphore_mem>> -> memref<1x!tpu.dma_semaphore, #tpu.memory_space<semaphore_mem>>
    %dma_wait3A_344 = tpu.memref_squeeze %dma_wait3A_343 : memref<1x!tpu.dma_semaphore, #tpu.memory_space<semaphore_mem>> -> memref<!tpu.dma_semaphore, #tpu.memory_space<semaphore_mem>>
    %dma_wait3A_345 = arith.constant 0 : i32
    %dma_wait3A_346 = arith.constant 0 : i32
    %dma_wait3A_347 = tpu.memref_slice %arg4[%dma_wait3A_331, %dma_wait3A_345, %dma_wait3A_346] : memref<50x4096x128xf32, #tpu.memory_space<hbm>> -> memref<1x4096x128xf32, #tpu.memory_space<hbm>>
    %dma_wait3A_348 = tpu.memref_squeeze %dma_wait3A_347 : memref<1x4096x128xf32, #tpu.memory_space<hbm>> -> memref<4096x128xf32, #tpu.memory_space<hbm>>
    %dma_wait3A_349 = arith.constant 0 : i32
    %dma_wait3A_350 = tpu.memref_slice %dma_wait3A_348[%mul3A_2, %dma_wait3A_349] : memref<4096x128xf32, #tpu.memory_space<hbm>> -> memref<128x128xf32, #tpu.memory_space<hbm>>
    %dma_wait3A_351 = arith.constant 0 : i32
    %dma_wait3A_352 = arith.constant 0 : i32
    %dma_wait3A_353 = tpu.memref_slice %arg6[%dma_wait3A_330, %dma_wait3A_351, %dma_wait3A_352] : memref<5x128x128xf32, #tpu.memory_space<vmem>> -> memref<1x128x128xf32, #tpu.memory_space<vmem>>
    %dma_wait3A_354 = tpu.memref_squeeze %dma_wait3A_353 : memref<1x128x128xf32, #tpu.memory_space<vmem>> -> memref<128x128xf32, #tpu.memory_space<vmem>>
    tpu.wait_dma2 semaphore(%dma_wait3A_344 : memref<!tpu.dma_semaphore, #tpu.memory_space<semaphore_mem>>) src(%dma_wait3A_354 : memref<128x128xf32, #tpu.memory_space<vmem>>) dst(%dma_wait3A_350 : memref<128x128xf32, #tpu.memory_space<hbm>>)
    %dma_wait3A_355 = arith.constant 3 : i32
    %dma_wait3A_356 = arith.constant 48 : i32
    %dma_wait3A_357 = arith.constant 3 : i32
    %dma_wait3A_358 = arith.constant 0 : i32
    %dma_wait3A_359 = arith.constant 0 : i32
    %dma_wait3A_360 = tpu.memref_slice %arg6[%dma_wait3A_355, %dma_wait3A_358, %dma_wait3A_359] : memref<5x128x128xf32, #tpu.memory_space<vmem>> -> memref<1x128x128xf32, #tpu.memory_space<vmem>>
    %dma_wait3A_361 = tpu.memref_squeeze %dma_wait3A_360 : memref<1x128x128xf32, #tpu.memory_space<vmem>> -> memref<128x128xf32, #tpu.memory_space<vmem>>
    %dma_wait3A_362 = arith.constant 0 : i32
    %dma_wait3A_363 = arith.constant 0 : i32
    %dma_wait3A_364 = tpu.memref_slice %arg4[%dma_wait3A_356, %dma_wait3A_362, %dma_wait3A_363] : memref<50x4096x128xf32, #tpu.memory_space<hbm>> -> memref<1x4096x128xf32, #tpu.memory_space<hbm>>
    %dma_wait3A_365 = tpu.memref_squeeze %dma_wait3A_364 : memref<1x4096x128xf32, #tpu.memory_space<hbm>> -> memref<4096x128xf32, #tpu.memory_space<hbm>>
    %dma_wait3A_366 = arith.constant 0 : i32
    %dma_wait3A_367 = tpu.memref_slice %dma_wait3A_365[%mul3A_2, %dma_wait3A_366] : memref<4096x128xf32, #tpu.memory_space<hbm>> -> memref<128x128xf32, #tpu.memory_space<hbm>>
    %dma_wait3A_368 = tpu.memref_slice %arg8[%dma_wait3A_357] : memref<5x!tpu.dma_semaphore, #tpu.memory_space<semaphore_mem>> -> memref<1x!tpu.dma_semaphore, #tpu.memory_space<semaphore_mem>>
    %dma_wait3A_369 = tpu.memref_squeeze %dma_wait3A_368 : memref<1x!tpu.dma_semaphore, #tpu.memory_space<semaphore_mem>> -> memref<!tpu.dma_semaphore, #tpu.memory_space<semaphore_mem>>
    %dma_wait3A_370 = arith.constant 0 : i32
    %dma_wait3A_371 = arith.constant 0 : i32
    %dma_wait3A_372 = tpu.memref_slice %arg4[%dma_wait3A_356, %dma_wait3A_370, %dma_wait3A_371] : memref<50x4096x128xf32, #tpu.memory_space<hbm>> -> memref<1x4096x128xf32, #tpu.memory_space<hbm>>
    %dma_wait3A_373 = tpu.memref_squeeze %dma_wait3A_372 : memref<1x4096x128xf32, #tpu.memory_space<hbm>> -> memref<4096x128xf32, #tpu.memory_space<hbm>>
    %dma_wait3A_374 = arith.constant 0 : i32
    %dma_wait3A_375 = tpu.memref_slice %dma_wait3A_373[%mul3A_2, %dma_wait3A_374] : memref<4096x128xf32, #tpu.memory_space<hbm>> -> memref<128x128xf32, #tpu.memory_space<hbm>>
    %dma_wait3A_376 = arith.constant 0 : i32
    %dma_wait3A_377 = arith.constant 0 : i32
    %dma_wait3A_378 = tpu.memref_slice %arg6[%dma_wait3A_355, %dma_wait3A_376, %dma_wait3A_377] : memref<5x128x128xf32, #tpu.memory_space<vmem>> -> memref<1x128x128xf32, #tpu.memory_space<vmem>>
    %dma_wait3A_379 = tpu.memref_squeeze %dma_wait3A_378 : memref<1x128x128xf32, #tpu.memory_space<vmem>> -> memref<128x128xf32, #tpu.memory_space<vmem>>
    tpu.wait_dma2 semaphore(%dma_wait3A_369 : memref<!tpu.dma_semaphore, #tpu.memory_space<semaphore_mem>>) src(%dma_wait3A_379 : memref<128x128xf32, #tpu.memory_space<vmem>>) dst(%dma_wait3A_375 : memref<128x128xf32, #tpu.memory_space<hbm>>)
    %dma_wait3A_380 = arith.constant 4 : i32
    %dma_wait3A_381 = arith.constant 49 : i32
    %dma_wait3A_382 = arith.constant 4 : i32
    %dma_wait3A_383 = arith.constant 0 : i32
    %dma_wait3A_384 = arith.constant 0 : i32
    %dma_wait3A_385 = tpu.memref_slice %arg6[%dma_wait3A_380, %dma_wait3A_383, %dma_wait3A_384] : memref<5x128x128xf32, #tpu.memory_space<vmem>> -> memref<1x128x128xf32, #tpu.memory_space<vmem>>
    %dma_wait3A_386 = tpu.memref_squeeze %dma_wait3A_385 : memref<1x128x128xf32, #tpu.memory_space<vmem>> -> memref<128x128xf32, #tpu.memory_space<vmem>>
    %dma_wait3A_387 = arith.constant 0 : i32
    %dma_wait3A_388 = arith.constant 0 : i32
    %dma_wait3A_389 = tpu.memref_slice %arg4[%dma_wait3A_381, %dma_wait3A_387, %dma_wait3A_388] : memref<50x4096x128xf32, #tpu.memory_space<hbm>> -> memref<1x4096x128xf32, #tpu.memory_space<hbm>>
    %dma_wait3A_390 = tpu.memref_squeeze %dma_wait3A_389 : memref<1x4096x128xf32, #tpu.memory_space<hbm>> -> memref<4096x128xf32, #tpu.memory_space<hbm>>
    %dma_wait3A_391 = arith.constant 0 : i32
    %dma_wait3A_392 = tpu.memref_slice %dma_wait3A_390[%mul3A_2, %dma_wait3A_391] : memref<4096x128xf32, #tpu.memory_space<hbm>> -> memref<128x128xf32, #tpu.memory_space<hbm>>
    %dma_wait3A_393 = tpu.memref_slice %arg8[%dma_wait3A_382] : memref<5x!tpu.dma_semaphore, #tpu.memory_space<semaphore_mem>> -> memref<1x!tpu.dma_semaphore, #tpu.memory_space<semaphore_mem>>
    %dma_wait3A_394 = tpu.memref_squeeze %dma_wait3A_393 : memref<1x!tpu.dma_semaphore, #tpu.memory_space<semaphore_mem>> -> memref<!tpu.dma_semaphore, #tpu.memory_space<semaphore_mem>>
    %dma_wait3A_395 = arith.constant 0 : i32
    %dma_wait3A_396 = arith.constant 0 : i32
    %dma_wait3A_397 = tpu.memref_slice %arg4[%dma_wait3A_381, %dma_wait3A_395, %dma_wait3A_396] : memref<50x4096x128xf32, #tpu.memory_space<hbm>> -> memref<1x4096x128xf32, #tpu.memory_space<hbm>>
    %dma_wait3A_398 = tpu.memref_squeeze %dma_wait3A_397 : memref<1x4096x128xf32, #tpu.memory_space<hbm>> -> memref<4096x128xf32, #tpu.memory_space<hbm>>
    %dma_wait3A_399 = arith.constant 0 : i32
    %dma_wait3A_400 = tpu.memref_slice %dma_wait3A_398[%mul3A_2, %dma_wait3A_399] : memref<4096x128xf32, #tpu.memory_space<hbm>> -> memref<128x128xf32, #tpu.memory_space<hbm>>
    %dma_wait3A_401 = arith.constant 0 : i32
    %dma_wait3A_402 = arith.constant 0 : i32
    %dma_wait3A_403 = tpu.memref_slice %arg6[%dma_wait3A_380, %dma_wait3A_401, %dma_wait3A_402] : memref<5x128x128xf32, #tpu.memory_space<vmem>> -> memref<1x128x128xf32, #tpu.memory_space<vmem>>
    %dma_wait3A_404 = tpu.memref_squeeze %dma_wait3A_403 : memref<1x128x128xf32, #tpu.memory_space<vmem>> -> memref<128x128xf32, #tpu.memory_space<vmem>>
    tpu.wait_dma2 semaphore(%dma_wait3A_394 : memref<!tpu.dma_semaphore, #tpu.memory_space<semaphore_mem>>) src(%dma_wait3A_404 : memref<128x128xf32, #tpu.memory_space<vmem>>) dst(%dma_wait3A_400 : memref<128x128xf32, #tpu.memory_space<hbm>>)
    return
  }
}

</mosaic_0001>

<sc_bundles>
// kernel: kernel.3.cloned.1.call-start
scs
__scs_entry_jumppad:
0x0: {  	(pc) =	sbr.rel $0x88, $3  }
0x1: {  	(tag) =	ssettag $0x0;
	lr =	simm.s32 $0x1  }
0x2: {  	[smem:$0x3F9F] =	sst lr;
	_ =	strace $0xD0000000  }
0x3: {  	_ = 	snop  }
0x4: {  	_ = 	snop  }
0x5: {  	_ = 	snop  }
0x6: {  	_ = 	snop  }
0x7: {  	_ = 	snop  }
__scs_overlays_trampoline_lowered:
0x8: {  	[smem:$0x3FAE] =	sst s0  }
0x9: {  	[smem:$0x3FAF] =	sst s1  }
0xa: {  	[smem:$0x3FB0] =	sst s2  }
0xb: {  	[smem:$0x3FB1] =	sst s3  }
0xc: {  	[smem:$0x3FB2] =	sst s4  }
0xd: {  	[smem:$0x3FB3] =	sst s5  }
0xe: {  	[smem:$0x3FB4] =	sst s6  }
0xf: {  	[smem:$0x3FB5] =	sst s7  }
0x10: {  	[smem:$0x3FB6] =	sst s8  }
0x11: {  	[smem:$0x3FB7] =	sst s9;
	s0 =	simm.s32 @!p0 $0x0  }
0x12: {  	s1 =	sld [smem:$0x3F9D];
	s0 =	simm.s32 @p0 $0x1  }
0x13: {  	[smem:$0x3FB8] =	sst s0;
	s0 =	simm.s32 @!p1 $0x0  }
0x14: {  	s2 =	sld [smem:$0x3F9C];
	s0 =	simm.s32 @p1 $0x1  }
0x15: {  	[smem:$0x3FB9] =	sst s0;
	s0 =	simm.s32 @!p2 $0x0  }
0x16: {  	s3 =	sld [smem:$0x3FDB];
	s0 =	simm.s32 @p2 $0x1  }
0x17: {  	s4 =	simm.s32 $0x1BF5;
	[smem:$0x3FBB] =	sst s0  }
0x18: {  	s0 =	sld [smem:$0x3F9E];
	_ =	swait.ge [sflag:s4], $0x0  }
0x19: {  	s7 =	sld [smem:$0x3F9F]  }
0x1a: {  	s8 =	sadd.s32 $0xFFFFE003, lr  }
0x1b: {  	s9 =	sadd.s32 $0xFFFFFEF7, lr;
	s5 =	simm.s32 $0xFFFFFFFF;
	p2 =	slt.u32 s8, $0xFFFFF086  }
0x1c: {  	p1 =	slt.u32 s9, $0xF7A;
	s5 =	simm.s32 @!p2 $0x0  }
0x1d: {  	s5 =	simm.s32 @p1 $0x1;
	p0 =	seq.s32 s7, s2  }
0x1e: {  	s7 =	smul.u32 @!p0 $0xF7A, s2;
	p2 =	seq.s32 @!p0 s5, $0x0  }
0x1f: {  	s9 =	smul.u32 $0xF7A, s1;
	s8 =	simm.s32 @!p0 $0x1BF5;
	p2 =	por !p2, p0  }
0x20: {  	[sflag:s8] =	ssyncset.s32 @!p0 $0xFFFFF086;
	s6 =	sadd.s32 @!p0 s3, s7;
	s7 =	simm.s32 @!p0 $0x108  }
0x21: {  	s3 =	sadd.s32 s3, s9;
	s6 =	sadd.s32 @!p0 $0x88, s6;
	s7 =	simm.s32 @p2 $0x1082  }
0x22: {  	[simem:s7], [sflag:s8] =	dma.local @!p0 [hbm:s6], $0xF7A  }
0x23: {  	s9 =	sor.u32 $0xD0000000, s2;
	s6 =	simm.s32 $0x108;
	_ =	swait.ge @!p0 [sflag:s8], $0x0  }
0x24: {  	s3 =	sadd.s32 $0x88, s3;
	s6 =	simm.s32 @!p1 $0x1082;
	[sflag:s4] =	ssyncset.s32 $0xFFFFF086  }
0x25: {  	[simem:s6], [sflag:s4] =	dma.local [hbm:s3], $0xF7A  }
0x26: {  	[smem:$0x3F9F] =	sst s1;
	(tag) =	ssettag s2;
	_ =	strace s9  }
0x27: {  	s1 =	sld [smem:$0x3FAF]  }
0x28: {  	s2 =	sld [smem:$0x3FB0]  }
0x29: {  	s4 =	sld [smem:$0x3FB2]  }
0x2a: {  	p0 =	seq.s32 s5, $0x0;
	s5 =	sld [smem:$0x3FB3]  }
0x2b: {  	s6 =	sld [smem:$0x3FB4]  }
0x2c: {  	s7 =	sld [smem:$0x3FB5]  }
0x2d: {  	s3 =	simm.s32 $0x108;
	s8 =	sld [smem:$0x3FB6]  }
0x2e: {  	s3 =	simm.s32 @!p0 $0x1082;
	s9 =	sld [smem:$0x3FB7]  }
0x2f: {  	lr =	sadd.s32 s0, s3;
	s0 =	sld [smem:$0x3FAE]  }
0x30: {  	s3 =	sld [smem:$0x3FB1]  }
0x31: {  	[smem:$0x3FBA] =	sst s10  }
0x32: {  	s10 =	sld [smem:$0x3FB8];
	_ =	sdelay $0x3  }
0x33: {  	p0 =	seq.s32 s10, $0x1;
	s10 =	sld [smem:$0x3FBA];
	_ =	sdelay $0x3  }
0x34: {  	[smem:$0x3FBA] =	sst s10  }
0x35: {  	s10 =	sld [smem:$0x3FB9];
	_ =	sdelay $0x3  }
0x36: {  	p1 =	seq.s32 s10, $0x1;
	s10 =	sld [smem:$0x3FBA];
	_ =	sdelay $0x3  }
0x37: {  	[smem:$0x3FBA] =	sst s10  }
0x38: {  	s10 =	sld [smem:$0x3FBB]  }
0x39: {  	_ = 	snop;
	(pc) =	sbr.ind lr, $3  }
0x3a: {  	_ = 	snop  }
0x3b: {  	_ = 	snop  }
0x3c: {  	p2 =	seq.s32 s10, $0x1;
	s10 =	sld [smem:$0x3FBA]  }
0x3d: {  	_ =	shalt  }
0x3e: {  	_ =	shalt  }
0x3f: {  	_ =	shalt  }
0x40: {  	_ =	shalt  }
0x41: {  	_ =	shalt  }
0x42: {  	_ =	shalt  }
0x43: {  	_ =	shalt  }
0x44: {  	_ =	shalt  }
0x45: {  	_ =	shalt  }
0x46: {  	_ =	shalt  }
0x47: {  	_ =	shalt  }
0x48: {  	_ =	shalt  }
0x49: {  	_ =	shalt  }
0x4a: {  	_ =	shalt  }
0x4b: {  	_ =	shalt  }
0x4c: {  	_ =	shalt  }
0x4d: {  	_ =	shalt  }
0x4e: {  	_ =	shalt  }
0x4f: {  	_ =	shalt  }
0x50: {  	_ =	shalt  }
0x51: {  	_ =	shalt  }
0x52: {  	_ =	shalt  }
0x53: {  	_ =	shalt  }
0x54: {  	_ =	shalt  }
0x55: {  	_ =	shalt  }
0x56: {  	_ =	shalt  }
0x57: {  	_ =	shalt  }
0x58: {  	_ =	shalt  }
0x59: {  	_ =	shalt  }
0x5a: {  	_ =	shalt  }
0x5b: {  	_ =	shalt  }
0x5c: {  	_ =	shalt  }
0x5d: {  	_ =	shalt  }
0x5e: {  	_ =	shalt  }
0x5f: {  	_ =	shalt  }
0x60: {  	_ =	shalt  }
0x61: {  	_ =	shalt  }
0x62: {  	_ =	shalt  }
0x63: {  	_ =	shalt  }
0x64: {  	_ =	shalt  }
0x65: {  	_ =	shalt  }
0x66: {  	_ =	shalt  }
0x67: {  	_ =	shalt  }
0x68: {  	_ =	shalt  }
0x69: {  	_ =	shalt  }
0x6a: {  	_ =	shalt  }
0x6b: {  	_ =	shalt  }
0x6c: {  	_ =	shalt  }
0x6d: {  	_ =	shalt  }
0x6e: {  	_ =	shalt  }
0x6f: {  	_ =	shalt  }
0x70: {  	_ =	shalt  }
0x71: {  	_ =	shalt  }
0x72: {  	_ =	shalt  }
0x73: {  	_ =	shalt  }
0x74: {  	_ =	shalt  }
0x75: {  	_ =	shalt  }
0x76: {  	_ =	shalt  }
0x77: {  	_ =	shalt  }
0x78: {  	_ =	shalt  }
0x79: {  	_ =	shalt  }
0x7a: {  	_ =	shalt  }
0x7b: {  	_ =	shalt  }
0x7c: {  	_ =	shalt  }
0x7d: {  	_ =	shalt  }
0x7e: {  	_ =	shalt  }
0x7f: {  	_ =	shalt  }
0x80: {  	_ =	shalt  }
0x81: {  	_ =	shalt  }
0x82: {  	_ =	shalt  }
0x83: {  	_ =	shalt  }
0x84: {  	_ =	shalt  }
0x85: {  	_ =	shalt  }
0x86: {  	_ =	shalt  }
0x87: {  	_ =	shalt  }
.Lfunc_end0:
.L_simem_size_0:
called_computation_lowered:
.L_overlay_start_0:
0x88: {  	s2 =	sld [smem:$0x3FD9]  }
0x89: {  	s3 =	sld [smem:$0x3FFE];
	_ =	sdelay $0x1  }
0x8a: {  	s1 =	srdreg.scid  }
0x8b: {  	s0 =	sand.u32 $0x1, s1  }
0x8c: {  	s18 =	sshll.u32 s0, $0xA;
	s2 =	sadd.s32 s3, s2  }
0x8d: {  	s2 =	sadd.s32 s2, s18  }
0x8e: {  	[smem:$0x3FC6] =	sst s2  }
0x8f: {  	_ = 	snop  }
0x90: {  	s2 =	sld [smem:$0x3FC9]  }
0x91: {  	s19 =	sld [smem:$0x3FC8]  }
0x92: {  	s4 =	sld [smem:$0x3FD0];
	(tm) =	ssettm $0x1  }
0x93: {  	s5 =	sld [smem:$0x3FFB];
	_ =	sdelay $0x3  }
0x94: {  	_ =	strace s5  }
0x95: {  	s5 =	sld [smem:$0x3FFC];
	_ =	sdelay $0x3  }
0x96: {  	_ =	strace s5  }
0x97: {  	s5 =	sld [smem:$0x3FFD];
	_ =	sdelay $0x3  }
0x98: {  	_ =	strace s5  }
0x99: {  	_ =	strace $0x8FFFFFFF  }
0x9a: {  	s20 =	sld [smem:$0x3FDB];
	_ =	sdelay $0x1  }
0x9b: {  	s6 =	simm.s32 $_scs_section_size  }
0x9c: {  	s7 =	simm.s32 $_size__tile_overlayer_lowered;
	s8 =	simm.s32 $_tile_overlayer_lowered  }
0x9d: {  	s23 =	simm.s32 $0x1BFF;
	s22 =	sshll.u32 s8, $0x1;
	s5 =	sadd.s32 s6, s20  }
0x9e: {  	s9 =	simm.s32 $0x0;
	s21 =	sshll.u32 s7, $0x1;
	s7 =	sadd.s32 s22, s5  }
0x9f: {  	[timem:s9], [sflag:s23] =	dma.local [hbm:s7], s21  }
0xa0: {  	_ =	swait.ge [sflag:s23], s21  }
0xa1: {  	s6 =	ssub.s32 $0x0, s21;
	[sflag:s23] =	ssyncset.done $0x0  }
0xa2: {  	[sflag:s23] =	ssyncadd.s32 s6;
	_ =	sdelay $0x1  }
0xa3: {  	s24 =	simm.s32 $0x1B8B  }
0xa4: {  	_ =	swait.ge [sflag:s24], $0x1  }
0xa5: {  	[sflag:s24] =	ssyncset.done $0x0  }
0xa6: {  	s25 =	simm.s32 $0x1B8E;
	[sflag:s24] =	ssyncadd.s32 $0xFFFFFFFF  }
0xa7: {  	s26 =	simm.s32 $execute0_lowered;
	[smem:$0x3FD2] =	sst s25  }
0xa8: {  	s6 =	sshll.u32 s26, $0x1;
	_ =	strace $0x80000046;
	[dreg:$0x1] =	wrdreg $0xFFFFFFFF  }
0xa9: {  	s28 =	simm.s32 $_size_execute0_lowered;
	s5 =	sadd.s32 s5, s6;
	[dreg:$0x0] =	wrdreg $0x0  }
0xaa: {  	s6 =	sshll.u32 s28, $0x1;
	[dreg:$0x2] =	wrdreg s5  }
0xab: {  	[dreg:$0x3] =	wrdreg s6  }
0xac: {  	[dreg:$0x4] =	wrdreg $0xC0  }
0xad: {  	_ =	task [dreg:s9], $0x5FFFF  }
0xae: {  	[dreg:$0x1] =	wrdreg $0xFFFFFFFF  }
0xaf: {  	[dreg:$0x0] =	wrdreg $0x60  }
0xb0: {  	[dreg:$0x2] =	wrdreg s2  }
0xb1: {  	[dreg:$0x3] =	wrdreg s19  }
0xb2: {  	[dreg:$0x4] =	wrdreg s4  }
0xb3: {  	[dreg:$0x5] =	wrdreg $0x9  }
0xb4: {  	_ =	task.clear_ibuf [dreg:s9], $0x6FFFF;
	_ =	strace $0x90000046  }
0xb5: {  	s29 =	simm.s32 $0x9;
	_ =	strace $0x80000048  }
0xb6: {  	_ =	swait.ge [sflag:s29], $0x1  }
0xb7: {  	[sflag:s29] =	ssyncadd.s32 $0xFFFFFFFF  }
0xb8: {  	_ =	strace $0x90000048  }
0xb9: {  	_ =	sfence  }
0xba: {  	s30 =	sld [smem:$0x0];
	_ =	sdelay $0x2  }
0xbb: {  	s31 =	sshll.u32 s1, $0xD;
	s1 =	sshrl.u32 s1, $0x2  }
0xbc: {  	s3 =	sand.u32 $0x4000, s31;
	s1 =	sadd.s32 s1, s30  }
0xbd: {  	s0 =	sor.u32 s3, s0;
	s1 =	sshll.u32 s1, $0x11  }
0xbe: {  	s0 =	sor.u32 s1, s0  }
0xbf: {  	s0 =	sadd.s32 $0x8F2B, s0  }
0xc0: {  	[sflag:s0] =	ssyncadd.remote.s32 $0x1  }
0xc1: {  	_ =	sfence.sel $0xFFFF  }
0xc2: {  	[dreg:$0x0] =	wrdreg $0xFFFFFFFF;
	(pc) =	sbr.abs _section_cstart, $3  }
0xc3: {  	[dreg:$0x1] =	wrdreg $0xFFFFFFFF  }
0xc4: {  	_ =	task.clear_ibuf [dreg:s9], $0x2FFFF;
	_ =	strace $0x9FFFFFFF  }
0xc5: {  	(tm) =	ssettm $0x7FFFFFFF  }
tec
execute0_lowered:
.L_overlay_start_1:
0x0: {  	(tag) =	ssettag $0x1  }
0x1: {  	s0 =	rddreg [dreg:$0x0]  }
0x2: {  	s2 =	rddreg [dreg:$0x1]  }
0x3: {  	s1 =	rddreg [dreg:$0x2];
	s3 =	srdreg.scid  }
0x4: {  	s5 =	stileid.u32;
	s12 =	simm.s32 $0xB;
	s13 =	simm.s32 $0x80  }
0x5: {  	s14 =	simm.s32 $0x1C00;
	s15 =	simm.s32 $0x5C00;
	s17 =	simm.s32 $0x9C00  }
0x6: {  	s19 =	simm.s32 $0xDC00;
	s28 =	simm.s32 $0x1;
	s29 =	simm.s32 $0x2  }
0x7: {  	s30 =	simm.s32 $0x3;
	s31 =	simm.s32 $0x4;
	s16 =	simm.s32 $0xA  }
0x8: {  	s18 =	simm.s32 $0x0;
	s4 =	sand.u32 $0x1, s3;
	s3 =	simm.s32 $0x0  }
0x9: {  	s5 =	sshll.u32 s5, $0x8;
	s24 =	sadd.s32 $0x2D0000, s1;
	s25 =	sadd.s32 $0x2E0000, s1  }
0xa: {  	s9 =	sadd.s32 $0x2F0000, s1;
	s10 =	sadd.s32 $0x300000, s1;
	s11 =	sadd.s32 $0x310000, s1  }
0xb: {  	s8 =	sadd.s32 $0x40000, s1;
	s1 =	simm.s32 $0x6;
	s6 =	sshll.u32 s4, $0x7  }
0xc: {  	[smem:$0x7FF] =	sst s3;
	s4 =	ssub.s32 $0x2, s4;
	s5 =	sor.u32 s6, s5  }
0xd: {  	_ =	strace $0x80000047;
	s21 =	sshrl.u32 s4, $0x1;
	s7 =	sadd.s32 s0, s5  }
0xe: {  	s22 =	ssub.s32 s4, s21;
	s6 =	sshll.u32 s5, $0x4;
	[dreg:$0x4] =	wrdreg s7  }
0xf: {  	s23 =	sadd.s32 $0x6000, s7;
	s0 =	smax.u32 s22, $0x1;
	s26 =	sadd.s32 s6, s24  }
0x10: {  	s22 =	sadd.s32 s6, s25;
	s24 =	sadd.s32 s6, s10;
	[dreg:$0x5] =	wrdreg s23  }
0x11: {  	s25 =	sadd.s32 s6, s11;
	s10 =	simm.s32 $0x8;
	[dreg:$0x6] =	wrdreg s0  }
0x12: {  	s11 =	simm.s32 $0x9;
	[dreg:$0x7] =	wrdreg s26;
	s23 =	sadd.s32 s6, s9  }
0x13: {  	s26 =	simm.s32 $0x11C00;
	s0 =	simm.s32 $0x5;
	s9 =	simm.s32 $0x7  }
.LBB2_1:
0x14: {  	s4 =	rddreg [dreg:$0x4];
	s5 =	simm.s32 $0x400;
	s7 =	simm.s32 $0x8000  }
0x15: {  	[tilespmem:s3], [sflag:$0xB] =	stream.strided.gather [hbm4b:s4+s5], $0x1800, s7, s5, $0x38;
	[tilespmem:$0x15C00] =	vst v63  }
0x16: {  	s20 =	rddreg [dreg:$0x5];
	s21 =	simm.s32 $0x1800  }
0x17: {  	[tilespmem:s21], [sflag:$0xB] =	stream.linear.gather [hbm4b:s20+s3], $0x100, $0x38;
	[tilespmem:$0x15C00] =	vst v63  }
0x18: {  	_ =	swait.ge [sflag:s12], $0x1900  }
0x19: {  	[sflag:s12] =	ssyncset.done $0x0  }
0x1a: {  	[sflag:s12] =	ssyncadd.s32 $0xFFFFE700  }
0x1b: {  	[tilespmem:s14], [sflag:$0x1] =	stream.indirect.gather [hbm4b:s2+s13], $0x80, s3, s13, $0xb8;
	[tilespmem:$0x15C00] =	vst v63  }
0x1c: {  	_ = 	snop  }
0x1d: {  	[tilespmem:s15], [sflag:$0x2] =	stream.indirect.gather [hbm4b:s2+s13], $0x80, s13, s13, $0xb8;
	[tilespmem:$0x15C00] =	vst v63  }
0x1e: {  	s5 =	simm.s32 $0x100  }
0x1f: {  	[tilespmem:s17], [sflag:$0x3] =	stream.indirect.gather [hbm4b:s2+s13], $0x80, s5, s13, $0xb8;
	[tilespmem:$0x15C00] =	vst v63  }
0x20: {  	s7 =	simm.s32 $0x180  }
0x21: {  	[tilespmem:s19], [sflag:$0x4] =	stream.indirect.gather [hbm4b:s2+s13], $0x80, s7, s13, $0xb8;
	[tilespmem:$0x15C00] =	vst v63  }
0x22: {  	s20 =	simm.s32 $0x200  }
0x23: {  	[tilespmem:s26], [sflag:$0x5] =	stream.indirect.gather [hbm4b:s2+s13], $0x80, s20, s13, $0xb8;
	[tilespmem:$0x15C00] =	vst v63  }
0x24: {  	_ =	swait.ge [sflag:s28], $0x4000  }
0x25: {  	s4 =	sadd.s32 s6, s8;
	[sflag:s28] =	ssyncset.done $0x0  }
0x26: {  	s21 =	sadd.s32 $0xFFFC0000, s4;
	[sflag:s28] =	ssyncadd.s32 $0xFFFFC000  }
0x27: {  	[hbm4b:s21+s3] =	stream.linear.scatter [tilespmem:s14], [sflag:$0x6], $0x4000, $0x38;
	[tilespmem:$0x15C00] =	vst v63  }
0x28: {  	_ =	swait.ge [sflag:s29], $0x4000  }
0x29: {  	[sflag:s29] =	ssyncset.done $0x0  }
0x2a: {  	s7 =	sadd.s32 $0xFFFD0000, s4;
	[sflag:s29] =	ssyncadd.s32 $0xFFFFC000  }
0x2b: {  	[hbm4b:s7+s3] =	stream.linear.scatter [tilespmem:s15], [sflag:$0x7], $0x4000, $0x38;
	[tilespmem:$0x15C00] =	vst v63  }
0x2c: {  	_ =	swait.ge [sflag:s30], $0x4000  }
0x2d: {  	[sflag:s30] =	ssyncset.done $0x0  }
0x2e: {  	s20 =	sadd.s32 $0xFFFE0000, s4;
	[sflag:s30] =	ssyncadd.s32 $0xFFFFC000  }
0x2f: {  	[hbm4b:s20+s3] =	stream.linear.scatter [tilespmem:s17], [sflag:$0x8], $0x4000, $0x38;
	[tilespmem:$0x15C00] =	vst v63  }
0x30: {  	_ =	swait.ge [sflag:s31], $0x4000  }
0x31: {  	[sflag:s31] =	ssyncset.done $0x0  }
0x32: {  	s21 =	sadd.s32 $0xFFFF0000, s4;
	[sflag:s31] =	ssyncadd.s32 $0xFFFFC000  }
0x33: {  	[hbm4b:s21+s3] =	stream.linear.scatter [tilespmem:s19], [sflag:$0x9], $0x4000, $0x38;
	[tilespmem:$0x15C00] =	vst v63  }
0x34: {  	_ =	swait.ge [sflag:s0], $0x4000  }
0x35: {  	[sflag:s0] =	ssyncset.done $0x0  }
0x36: {  	[sflag:s0] =	ssyncadd.s32 $0xFFFFC000  }
0x37: {  	[hbm4b:s4+s3] =	stream.linear.scatter [tilespmem:s26], [sflag:$0xA], $0x4000, $0x38;
	[tilespmem:$0x15C00] =	vst v63  }
0x38: {  	_ =	swait.ge [sflag:s1], $0x4000  }
0x39: {  	[sflag:s1] =	ssyncset.done $0x0  }
0x3a: {  	s5 =	simm.s32 $0x280;
	[sflag:s1] =	ssyncadd.s32 $0xFFFFC000  }
0x3b: {  	[tilespmem:s14], [sflag:$0x1] =	stream.indirect.gather [hbm4b:s2+s13], $0x80, s5, s13, $0xb8;
	[tilespmem:$0x15C00] =	vst v63  }
0x3c: {  	_ =	swait.ge [sflag:s9], $0x4000  }
0x3d: {  	[sflag:s9] =	ssyncset.done $0x0  }
0x3e: {  	s7 =	simm.s32 $0x300;
	[sflag:s9] =	ssyncadd.s32 $0xFFFFC000  }
0x3f: {  	[tilespmem:s15], [sflag:$0x2] =	stream.indirect.gather [hbm4b:s2+s13], $0x80, s7, s13, $0xb8;
	[tilespmem:$0x15C00] =	vst v63  }
0x40: {  	_ =	swait.ge [sflag:s10], $0x4000  }
0x41: {  	[sflag:s10] =	ssyncset.done $0x0  }
0x42: {  	s20 =	simm.s32 $0x380;
	[sflag:s10] =	ssyncadd.s32 $0xFFFFC000  }
0x43: {  	[tilespmem:s17], [sflag:$0x3] =	stream.indirect.gather [hbm4b:s2+s13], $0x80, s20, s13, $0xb8;
	[tilespmem:$0x15C00] =	vst v63  }
0x44: {  	_ =	swait.ge [sflag:s11], $0x4000  }
0x45: {  	[sflag:s11] =	ssyncset.done $0x0  }
0x46: {  	s21 =	simm.s32 $0x400;
	[sflag:s11] =	ssyncadd.s32 $0xFFFFC000  }
0x47: {  	[tilespmem:s19], [sflag:$0x4] =	stream.indirect.gather [hbm4b:s2+s13], $0x80, s21, s13, $0xb8;
	[tilespmem:$0x15C00] =	vst v63  }
0x48: {  	_ =	swait.ge [sflag:s16], $0x4000  }
0x49: {  	s4 =	simm.s32 $0x480;
	[sflag:s16] =	ssyncset.done $0x0  }
0x4a: {  	s5 =	sadd.s32 $0x50000, s8;
	s20 =	simm.s32 $0xA00;
	[sflag:s16] =	ssyncadd.s32 $0xFFFFC000  }
.LBB2_2:
0x4b: {  	[tilespmem:s26], [sflag:$0x5] =	stream.indirect.gather [hbm4b:s2+s13], $0x80, s4, s13, $0xb8;
	[tilespmem:$0x15C00] =	vst v63  }
0x4c: {  	s4 =	smov.u32 s20  }
0x4d: {  	p0 =	sne.s32 s20, $0x5000;
	s20 =	sadd.s32 $0xA00, s20;
	_ =	swait.ge [sflag:s28], $0x4000  }
0x4e: {  	s7 =	sadd.s32 s6, s5;
	[sflag:s28] =	ssyncset.done $0x0  }
0x4f: {  	s21 =	sadd.s32 $0xFFFC0000, s7;
	[sflag:s28] =	ssyncadd.s32 $0xFFFFC000  }
0x50: {  	[hbm4b:s21+s3] =	stream.linear.scatter [tilespmem:s14], [sflag:$0x6], $0x4000, $0x38;
	[tilespmem:$0x15C00] =	vst v63  }
0x51: {  	_ =	swait.ge [sflag:s29], $0x4000  }
0x52: {  	[sflag:s29] =	ssyncset.done $0x0  }
0x53: {  	s21 =	sadd.s32 $0xFFFD0000, s7;
	[sflag:s29] =	ssyncadd.s32 $0xFFFFC000  }
0x54: {  	[hbm4b:s21+s3] =	stream.linear.scatter [tilespmem:s15], [sflag:$0x7], $0x4000, $0x38;
	[tilespmem:$0x15C00] =	vst v63  }
0x55: {  	_ =	swait.ge [sflag:s30], $0x4000  }
0x56: {  	[sflag:s30] =	ssyncset.done $0x0  }
0x57: {  	s21 =	sadd.s32 $0xFFFE0000, s7;
	[sflag:s30] =	ssyncadd.s32 $0xFFFFC000  }
0x58: {  	[hbm4b:s21+s3] =	stream.linear.scatter [tilespmem:s17], [sflag:$0x8], $0x4000, $0x38;
	[tilespmem:$0x15C00] =	vst v63  }
0x59: {  	_ =	swait.ge [sflag:s31], $0x4000  }
0x5a: {  	[sflag:s31] =	ssyncset.done $0x0  }
0x5b: {  	s21 =	sadd.s32 $0xFFFF0000, s7;
	[sflag:s31] =	ssyncadd.s32 $0xFFFFC000  }
0x5c: {  	[hbm4b:s21+s3] =	stream.linear.scatter [tilespmem:s19], [sflag:$0x9], $0x4000, $0x38;
	[tilespmem:$0x15C00] =	vst v63  }
0x5d: {  	_ =	swait.ge [sflag:s0], $0x4000  }
0x5e: {  	[sflag:s0] =	ssyncset.done $0x0  }
0x5f: {  	[sflag:s0] =	ssyncadd.s32 $0xFFFFC000  }
0x60: {  	[hbm4b:s7+s3] =	stream.linear.scatter [tilespmem:s26], [sflag:$0xA], $0x4000, $0x38;
	[tilespmem:$0x15C00] =	vst v63  }
0x61: {  	_ =	swait.ge [sflag:s1], $0x4000  }
0x62: {  	s4 =	sshra.s32 s4, $0x2;
	[sflag:s1] =	ssyncset.done $0x0  }
0x63: {  	s7 =	sadd.s32 $0x280, s4;
	[sflag:s1] =	ssyncadd.s32 $0xFFFFC000  }
0x64: {  	[tilespmem:s14], [sflag:$0x1] =	stream.indirect.gather [hbm4b:s2+s13], $0x80, s7, s13, $0xb8;
	[tilespmem:$0x15C00] =	vst v63  }
0x65: {  	_ =	swait.ge [sflag:s9], $0x4000  }
0x66: {  	[sflag:s9] =	ssyncset.done $0x0  }
0x67: {  	s7 =	sadd.s32 $0x300, s4;
	[sflag:s9] =	ssyncadd.s32 $0xFFFFC000  }
0x68: {  	[tilespmem:s15], [sflag:$0x2] =	stream.indirect.gather [hbm4b:s2+s13], $0x80, s7, s13, $0xb8;
	[tilespmem:$0x15C00] =	vst v63  }
0x69: {  	_ =	swait.ge [sflag:s10], $0x4000  }
0x6a: {  	[sflag:s10] =	ssyncset.done $0x0  }
0x6b: {  	s7 =	sadd.s32 $0x380, s4;
	[sflag:s10] =	ssyncadd.s32 $0xFFFFC000  }
0x6c: {  	[tilespmem:s17], [sflag:$0x3] =	stream.indirect.gather [hbm4b:s2+s13], $0x80, s7, s13, $0xb8;
	[tilespmem:$0x15C00] =	vst v63  }
0x6d: {  	_ =	swait.ge [sflag:s11], $0x4000  }
0x6e: {  	[sflag:s11] =	ssyncset.done $0x0  }
.Ltmp0:
0x6f: {  	s7 =	sadd.s32 $0x400, s4;
	[sflag:s11] =	ssyncadd.s32 $0xFFFFC000;
	(pc) =	sbr.rel @p0 .LBB2_2-.Ltmp0, $4  }
0x70: {  	[tilespmem:s19], [sflag:$0x4] =	stream.indirect.gather [hbm4b:s2+s13], $0x80, s7, s13, $0xb8;
	[tilespmem:$0x15C00] =	vst v63  }
0x71: {  	_ =	swait.ge [sflag:s16], $0x4000  }
0x72: {  	[sflag:s16] =	ssyncset.done $0x0  }
0x73: {  	s5 =	sadd.s32 $0x50000, s5;
	s4 =	sadd.s32 $0x480, s4;
	[sflag:s16] =	ssyncadd.s32 $0xFFFFC000  }
0x74: {  	[tilespmem:s26], [sflag:$0x5] =	stream.indirect.gather [hbm4b:s2+s13], $0x80, s4, s13, $0xb8;
	[tilespmem:$0x15C00] =	vst v63  }
0x75: {  	_ =	swait.ge [sflag:s28], $0x4000  }
0x76: {  	[sflag:s28] =	ssyncset.done $0x0  }
0x77: {  	s20 =	rddreg [dreg:$0x7];
	[sflag:s28] =	ssyncadd.s32 $0xFFFFC000  }
0x78: {  	[hbm4b:s20+s3] =	stream.linear.scatter [tilespmem:s14], [sflag:$0x6], $0x4000, $0x38;
	[tilespmem:$0x15C00] =	vst v63  }
0x79: {  	_ =	swait.ge [sflag:s29], $0x4000  }
0x7a: {  	[sflag:s29] =	ssyncset.done $0x0  }
0x7b: {  	[sflag:s29] =	ssyncadd.s32 $0xFFFFC000  }
0x7c: {  	[hbm4b:s22+s3] =	stream.linear.scatter [tilespmem:s15], [sflag:$0x7], $0x4000, $0x38;
	[tilespmem:$0x15C00] =	vst v63  }
0x7d: {  	_ =	swait.ge [sflag:s30], $0x4000  }
0x7e: {  	[sflag:s30] =	ssyncset.done $0x0  }
0x7f: {  	[sflag:s30] =	ssyncadd.s32 $0xFFFFC000  }
0x80: {  	[hbm4b:s23+s3] =	stream.linear.scatter [tilespmem:s17], [sflag:$0x8], $0x4000, $0x38;
	[tilespmem:$0x15C00] =	vst v63  }
0x81: {  	_ =	swait.ge [sflag:s31], $0x4000  }
0x82: {  	[sflag:s31] =	ssyncset.done $0x0  }
0x83: {  	[sflag:s31] =	ssyncadd.s32 $0xFFFFC000  }
0x84: {  	[hbm4b:s24+s3] =	stream.linear.scatter [tilespmem:s19], [sflag:$0x9], $0x4000, $0x38;
	[tilespmem:$0x15C00] =	vst v63  }
0x85: {  	_ =	swait.ge [sflag:s0], $0x4000  }
0x86: {  	[sflag:s0] =	ssyncset.done $0x0  }
0x87: {  	[sflag:s0] =	ssyncadd.s32 $0xFFFFC000  }
0x88: {  	[hbm4b:s25+s3] =	stream.linear.scatter [tilespmem:s26], [sflag:$0xA], $0x4000, $0x38;
	[tilespmem:$0x15C00] =	vst v63  }
0x89: {  	_ =	swait.ge [sflag:s1], $0x4000  }
0x8a: {  	[sflag:s1] =	ssyncset.done $0x0  }
0x8b: {  	[sflag:s1] =	ssyncadd.s32 $0xFFFFC000  }
0x8c: {  	_ =	swait.ge [sflag:s9], $0x4000  }
0x8d: {  	[sflag:s9] =	ssyncset.done $0x0  }
0x8e: {  	[sflag:s9] =	ssyncadd.s32 $0xFFFFC000  }
0x8f: {  	_ =	swait.ge [sflag:s10], $0x4000  }
0x90: {  	[sflag:s10] =	ssyncset.done $0x0  }
0x91: {  	[sflag:s10] =	ssyncadd.s32 $0xFFFFC000  }
0x92: {  	_ =	swait.ge [sflag:s11], $0x4000  }
0x93: {  	[sflag:s11] =	ssyncset.done $0x0  }
0x94: {  	[sflag:s11] =	ssyncadd.s32 $0xFFFFC000  }
0x95: {  	_ =	swait.ge [sflag:s16], $0x4000  }
0x96: {  	s18 =	sadd.s32 $0x1, s18;
	s21 =	rddreg [dreg:$0x6]  }
0x97: {  	p0 =	sne.s32 s18, s21  }
.Ltmp1:
0x98: {  	_ = 	snop;
	(pc) =	sbr.rel @p0 .LBB2_1-.Ltmp1, $3  }
0x99: {  	_ =	sdelay $0x1  }
0x9a: {  	[sflag:s16] =	ssyncset.done $0x0  }
0x9b: {  	[sflag:s16] =	ssyncadd.s32 $0xFFFFC000  }
0x9c: {  	_ =	sfence.sel $0x180000  }
0x9d: {  	[bflag:$0x0] =	sbarrier.arrive $0xFFFF  }
0x9e: {  	_ =	strace $0x90000047  }
0x9f: {  	s0 =	stileid.u32;
	[bflag:$0x2] =	sbarrier.arrive $0xFFFF  }
0xa0: {  	p0 =	sne.s32 s0, $0x0;
	s0 =	rddreg [dreg:$0x3]  }
0xa1: {  	s0 =	sadd.s32 @!p0 $0x100000, s0  }
0xa2: {  	[sflag:s0] =	ssyncadd.tile.s32 @!p0 $0x1;
	_ =	shalt  }
.Lfunc_end2:
_tile_overlayer_lowered:
.L_overlay_start_2:
0xa3: {  	(tag) =	ssettag $0x2  }
0xa4: {  	s0 =	rddreg [dreg:$0x0];
	s2 =	stileid.u32  }
0xa5: {  	s1 =	rddreg [dreg:$0x1];
	p0 =	sne.s32 s2, $0x0  }
0xa6: {  	s3 =	rddreg [dreg:$0x2];
	[bflag:$0x3] =	sbarrier.arrive $0xFFFF;
	s2 =	simm.s32 @!p0 $0x1C0B  }
0xa7: {  	[timem:s3], [sflag:s2] =	dma.local @!p0 [hbm:s0], s1  }
0xa8: {  	s0 =	simm.s32 @!p0 $0xB  }
0xa9: {  	_ =	swait.ge @!p0 [sflag:s0], s1  }
0xaa: {  	s1 =	ssub.s32 @!p0 $0x0, s1;
	[sflag:s0] =	ssyncset.done @!p0 $0x0  }
0xab: {  	[sflag:s0] =	ssyncadd.s32 @!p0 s1  }
0xac: {  	[bflag:$0x3] =	sbarrier.arrive $0xFFFF  }
0xad: {  	_ =	shalt  }

</sc_bundles>
